<compile_context>
chip_gen: v7x
topology: tpu7x:2x2x1
jax: 0.10.2.dev20260603
libtpu: 0.0.44.dev20260713+nightly
codegen_flags: <defaults>
</compile_context>

<pallas_src>
import jax
import jax.numpy as jnp
from jax import lax
from jax.experimental import pallas as pl
from jax.experimental.pallas import tpu as pltpu
from jax.experimental.pallas import tpu_sc as plsc

B, S, D = 4, 4096, 2048
R = B * S
NC, NS, L = 2, 16, 16
NW = NC * NS
RW = R // NW
NBUF = 2


def _sc_body(emb_hbm, uidx_hbm, midx_hbm, cnt_hbm, mrows_hbm, out_hbm,
             uidxv, midxv, cntv, stage0, stage1, mrows_v,
             gsem0, gsem1, ssem0, ssem1, msem):
    wid = lax.axis_index("s") * NC + lax.axis_index("c")
    base = wid * RW
    pltpu.sync_copy(cnt_hbm.at[pl.ds(wid * L, L)], cntv)
    pltpu.sync_copy(uidx_hbm.at[pl.ds(base, RW)], uidxv)
    pltpu.sync_copy(midx_hbm.at[pl.ds(base, RW)], midxv)
    pltpu.sync_copy(mrows_hbm, mrows_v)
    cv = cntv[...]
    ncu = cv[0]
    ncm = cv[1]
    stages = (stage0, stage1)
    gsems = (gsem0, gsem1)
    ssems = (ssem0, ssem1)

    for b in range(NBUF):
        @pl.when(b < ncu)
        def _(b=b):
            vi = uidxv[pl.ds(b * L, L)]
            pltpu.async_copy(emb_hbm.at[vi], stages[b], gsems[b])

    def mfire(j, c):
        vi = midxv[pl.ds(j * L, L)]
        pltpu.async_copy(mrows_v, out_hbm.at[vi], msem)
        return c

    lax.fori_loop(0, ncm, mfire, jnp.int32(0))

    def obody(t, c):
        for b in range(NBUF):
            j = NBUF * t + b

            @pl.when(j < ncu)
            def _(b=b, j=j):
                vi = uidxv[pl.ds(j * L, L)]
                pltpu.make_async_copy(
                    emb_hbm.at[vi], stages[b], gsems[b]).wait()
                pltpu.async_copy(
                    stages[b], out_hbm.at[vi], ssems[b]).wait()

                @pl.when(j + NBUF < ncu)
                def _():
                    vi2 = uidxv[pl.ds((j + NBUF) * L, L)]
                    pltpu.async_copy(emb_hbm.at[vi2], stages[b], gsems[b])
        return c

    lax.fori_loop(0, (ncu + NBUF - 1) // NBUF, obody, jnp.int32(0))

    def mdrain(j, c):
        pltpu.make_async_copy(mrows_v, out_hbm.at[midxv[pl.ds(0, L)]],
                              msem).wait()
        return c

    lax.fori_loop(0, ncm, mdrain, jnp.int32(0))


_mesh = plsc.VectorSubcoreMesh(core_axis_name="c", subcore_axis_name="s")

_sc_call = pl.kernel(
    _sc_body,
    mesh=_mesh,
    out_type=jax.ShapeDtypeStruct((R, D), jnp.float32),
    scratch_types=[
        pltpu.VMEM((RW,), jnp.int32),
        pltpu.VMEM((RW,), jnp.int32),
        pltpu.VMEM((L,), jnp.int32),
        pltpu.VMEM((L, D), jnp.float32),
        pltpu.VMEM((L, D), jnp.float32),
        pltpu.VMEM((L, D), jnp.float32),
        pltpu.SemaphoreType.DMA,
        pltpu.SemaphoreType.DMA,
        pltpu.SemaphoreType.DMA,
        pltpu.SemaphoreType.DMA,
        pltpu.SemaphoreType.DMA,
    ],
)


def kernel(embeddings, token_mask, mask_token_embed):
    emb = embeddings.reshape(R, D)
    mask2 = token_mask.reshape(NW, RW).astype(jnp.int32)
    notm = 1 - mask2
    nu = jnp.sum(notm, axis=1, keepdims=True)
    nm = RW - nu
    posu = jnp.cumsum(notm, axis=1) - 1
    r = jnp.arange(RW, dtype=jnp.int32)[None, :]
    w = jnp.arange(NW, dtype=jnp.int32)[:, None]
    rows = w * RW + r
    dest_u = jnp.where(notm == 1, posu, nu + (r - posu - 1))
    k3 = r.reshape(1, 1, RW)
    perm_u = jnp.sum(
        jnp.where(dest_u[:, :, None] == k3, rows[:, :, None], 0), axis=1)
    rev = perm_u[:, ::-1]
    uidx = jnp.where(r < nu, perm_u, perm_u[:, :1]).reshape(R)
    midx = jnp.where(r < nm, rev, rev[:, :1]).reshape(R)
    ncu = (nu[:, 0] + L - 1) // L
    ncm = (nm[:, 0] + L - 1) // L
    cnt = jnp.zeros((NW, L), jnp.int32)
    cnt = cnt.at[:, 0].set(ncu).at[:, 1].set(ncm).reshape(NW * L)
    mrows = jnp.broadcast_to(mask_token_embed.reshape(1, D), (L, D))
    out = _sc_call(emb, uidx, midx, cnt, mrows)
    return out.reshape(B, S, D)

# --- scband reference (transcript-rebuilt; emitter-appended) ---
"""Pipeline reference for scband-confidence-masked-decoder-32530082300174 (READ-ONLY COPY).

The authoritative reference and input builder live on the scoring server;
editing this copy changes nothing except your own understanding.
"""

import jax, jax.numpy as jnp
import numpy as np

B, S, D = 4, 4096, 2048

def setup_inputs(seed: int = 0) -> dict:
    key = jax.random.key(seed)
    k1, k2, k3 = jax.random.split(key, 3)
    embeddings = jax.random.normal(k1, (B, S, D), dtype=jnp.float32)
    token_mask = jax.random.randint(k2, (B, S), 0, 2).astype(jnp.bool_)
    # learned parameter: mask token embedding, init randn * 0.02 as in the torch module
    mask_token_embed = jax.random.normal(k3, (D,), dtype=jnp.float32) * 0.02
    return {"embeddings": embeddings, "token_mask": token_mask, "mask_token_embed": mask_token_embed}

def reference(embeddings, token_mask, mask_token_embed):
    # Faithful translation of ConfidenceMaskedDecoder.apply_mask_to_embeddings:
    #   masked_embeddings = embeddings.clone()
    #   masked_embeddings[token_mask] = self.mask_token_embed
    # Boolean masked overwrite == select mask_token_embed at masked positions.
    masked_embeddings = jnp.where(token_mask[..., None], mask_token_embed[None, None, :], embeddings)
    return masked_embeddings

if __name__ == "__main__":
    import jax
    _d = setup_inputs()
    print(jax.jit(kernel)(*tuple(_d.values())))

</pallas_src>

<mosaic_0001>
#map = affine_map<(d0, d1) -> (0, 0)>
#map1 = affine_map<(d0, d1) -> (0)>
module attributes {stable_mosaic.version = 14 : i64} {
  func.func @_sc_body(%arg0: i32, %arg1: i32, %arg2: memref<16384x2048xf32, #tpu.memory_space<hbm>>, %arg3: memref<16384xi32, #tpu.memory_space<hbm>>, %arg4: memref<16384xi32, #tpu.memory_space<hbm>>, %arg5: memref<512xi32, #tpu.memory_space<hbm>>, %arg6: memref<16x2048xf32, #tpu.memory_space<hbm>>, %arg7: memref<16384x2048xf32, #tpu.memory_space<hbm>>, %arg8: memref<512xi32, #tpu.memory_space<vmem>>, %arg9: memref<512xi32, #tpu.memory_space<vmem>>, %arg10: memref<16xi32, #tpu.memory_space<vmem>>, %arg11: memref<16x2048xf32, #tpu.memory_space<vmem>>, %arg12: memref<16x2048xf32, #tpu.memory_space<vmem>>, %arg13: memref<16x2048xf32, #tpu.memory_space<vmem>>, %arg14: memref<!tpu.dma_semaphore, #tpu.memory_space<semaphore_mem>>, %arg15: memref<!tpu.dma_semaphore, #tpu.memory_space<semaphore_mem>>, %arg16: memref<!tpu.dma_semaphore, #tpu.memory_space<semaphore_mem>>, %arg17: memref<!tpu.dma_semaphore, #tpu.memory_space<semaphore_mem>>, %arg18: memref<!tpu.dma_semaphore, #tpu.memory_space<semaphore_mem>>) attributes {dimension_semantics = [#tpu.dimension_semantics<core_parallel>, #tpu.dimension_semantics<subcore_parallel>], iteration_bounds = array<i64: 2, 16>, scalar_prefetch = 0 : i64, scratch_operands = 11 : i64, tpu.core_type = #tpu.core_type<sc_vector_subcore>, window_params = [{transform_indices = #map}, {transform_indices = #map1}, {transform_indices = #map1}, {transform_indices = #map1}, {transform_indices = #map}, {transform_indices = #map}]} {
    %mul3A = arith.constant 2 : i32
    %mul3A_0 = arith.muli %arg1, %mul3A : i32
    %add3A = arith.addi %mul3A_0, %arg0 : i32
    %mul3A_1 = arith.constant 512 : i32
    %mul3A_2 = arith.muli %add3A, %mul3A_1 : i32
    %mul3A_3 = arith.constant 16 : i32
    %mul3A_4 = arith.muli %add3A, %mul3A_3 : i32
    "tpu.region"() ({
      %run_scoped3A = tpu.sem_alloc : memref<!tpu.dma_semaphore, #tpu.memory_space<semaphore_mem>>
      %dma_start3A = tpu.memref_slice %arg5[%mul3A_4] : memref<512xi32, #tpu.memory_space<hbm>> -> memref<16xi32, #tpu.memory_space<hbm>>
      %dma_start3A_65 = tpu.memref_slice %arg5[%mul3A_4] : memref<512xi32, #tpu.memory_space<hbm>> -> memref<16xi32, #tpu.memory_space<hbm>>
      tpu.enqueue_dma source(%dma_start3A_65 : memref<16xi32, #tpu.memory_space<hbm>>) target(%arg10 : memref<16xi32, #tpu.memory_space<vmem>>) target_semaphore(%run_scoped3A : memref<!tpu.dma_semaphore, #tpu.memory_space<semaphore_mem>>)
      %dma_wait3A = tpu.memref_slice %arg5[%mul3A_4] : memref<512xi32, #tpu.memory_space<hbm>> -> memref<16xi32, #tpu.memory_space<hbm>>
      %dma_wait3A_66 = tpu.memref_slice %arg5[%mul3A_4] : memref<512xi32, #tpu.memory_space<hbm>> -> memref<16xi32, #tpu.memory_space<hbm>>
      tpu.wait_dma2 semaphore(%run_scoped3A : memref<!tpu.dma_semaphore, #tpu.memory_space<semaphore_mem>>) src(%dma_wait3A_66 : memref<16xi32, #tpu.memory_space<hbm>>) dst(%arg10 : memref<16xi32, #tpu.memory_space<vmem>>)
      tpu.yield
    }) : () -> ()
    "tpu.region"() ({
      %run_scoped3A = tpu.sem_alloc : memref<!tpu.dma_semaphore, #tpu.memory_space<semaphore_mem>>
      %dma_start3A = tpu.memref_slice %arg3[%mul3A_2] : memref<16384xi32, #tpu.memory_space<hbm>> -> memref<512xi32, #tpu.memory_space<hbm>>
      %dma_start3A_65 = tpu.memref_slice %arg3[%mul3A_2] : memref<16384xi32, #tpu.memory_space<hbm>> -> memref<512xi32, #tpu.memory_space<hbm>>
      tpu.enqueue_dma source(%dma_start3A_65 : memref<512xi32, #tpu.memory_space<hbm>>) target(%arg8 : memref<512xi32, #tpu.memory_space<vmem>>) target_semaphore(%run_scoped3A : memref<!tpu.dma_semaphore, #tpu.memory_space<semaphore_mem>>)
      %dma_wait3A = tpu.memref_slice %arg3[%mul3A_2] : memref<16384xi32, #tpu.memory_space<hbm>> -> memref<512xi32, #tpu.memory_space<hbm>>
      %dma_wait3A_66 = tpu.memref_slice %arg3[%mul3A_2] : memref<16384xi32, #tpu.memory_space<hbm>> -> memref<512xi32, #tpu.memory_space<hbm>>
      tpu.wait_dma2 semaphore(%run_scoped3A : memref<!tpu.dma_semaphore, #tpu.memory_space<semaphore_mem>>) src(%dma_wait3A_66 : memref<512xi32, #tpu.memory_space<hbm>>) dst(%arg8 : memref<512xi32, #tpu.memory_space<vmem>>)
      tpu.yield
    }) : () -> ()
    "tpu.region"() ({
      %run_scoped3A = tpu.sem_alloc : memref<!tpu.dma_semaphore, #tpu.memory_space<semaphore_mem>>
      %dma_start3A = tpu.memref_slice %arg4[%mul3A_2] : memref<16384xi32, #tpu.memory_space<hbm>> -> memref<512xi32, #tpu.memory_space<hbm>>
      %dma_start3A_65 = tpu.memref_slice %arg4[%mul3A_2] : memref<16384xi32, #tpu.memory_space<hbm>> -> memref<512xi32, #tpu.memory_space<hbm>>
      tpu.enqueue_dma source(%dma_start3A_65 : memref<512xi32, #tpu.memory_space<hbm>>) target(%arg9 : memref<512xi32, #tpu.memory_space<vmem>>) target_semaphore(%run_scoped3A : memref<!tpu.dma_semaphore, #tpu.memory_space<semaphore_mem>>)
      %dma_wait3A = tpu.memref_slice %arg4[%mul3A_2] : memref<16384xi32, #tpu.memory_space<hbm>> -> memref<512xi32, #tpu.memory_space<hbm>>
      %dma_wait3A_66 = tpu.memref_slice %arg4[%mul3A_2] : memref<16384xi32, #tpu.memory_space<hbm>> -> memref<512xi32, #tpu.memory_space<hbm>>
      tpu.wait_dma2 semaphore(%run_scoped3A : memref<!tpu.dma_semaphore, #tpu.memory_space<semaphore_mem>>) src(%dma_wait3A_66 : memref<512xi32, #tpu.memory_space<hbm>>) dst(%arg9 : memref<512xi32, #tpu.memory_space<vmem>>)
      tpu.yield
    }) : () -> ()
    "tpu.region"() ({
      %run_scoped3A = tpu.sem_alloc : memref<!tpu.dma_semaphore, #tpu.memory_space<semaphore_mem>>
      tpu.enqueue_dma source(%arg6 : memref<16x2048xf32, #tpu.memory_space<hbm>>) target(%arg13 : memref<16x2048xf32, #tpu.memory_space<vmem>>) target_semaphore(%run_scoped3A : memref<!tpu.dma_semaphore, #tpu.memory_space<semaphore_mem>>)
      tpu.wait_dma2 semaphore(%run_scoped3A : memref<!tpu.dma_semaphore, #tpu.memory_space<semaphore_mem>>) src(%arg6 : memref<16x2048xf32, #tpu.memory_space<hbm>>) dst(%arg13 : memref<16x2048xf32, #tpu.memory_space<vmem>>)
      tpu.yield
    }) : () -> ()
    %get3A = arith.constant 0 : index
    %get3A_5 = tpu.vector_load %arg10[%get3A] {strides = array<i32>} : memref<16xi32, #tpu.memory_space<vmem>>, vector<16xi32>,
    %get3A_6 = vector.shape_cast %get3A_5 : vector<16xi32> to vector<16xi32>
    %slice3A = vector.extract_strided_slice %get3A_6 {offsets = [0], sizes = [1], strides = [1]} : vector<16xi32> to vector<1xi32>
    %squeeze3A = vector.extract %slice3A[0] : i32 from vector<1xi32>
    %slice3A_7 = vector.extract_strided_slice %get3A_6 {offsets = [1], sizes = [1], strides = [1]} : vector<16xi32> to vector<1xi32>
    %squeeze3A_8 = vector.extract %slice3A_7[0] : i32 from vector<1xi32>
    %gt3A = arith.constant 0 : i32
    %gt3A_9 = arith.cmpi sgt, %squeeze3A, %gt3A : i32
    %convert_element_type3A = arith.extui %gt3A_9 : i1 to i32
    %cond3A = arith.constant 0 : i32
    %cond3A_10 = arith.cmpi ne, %convert_element_type3A, %cond3A : i32
    scf.if %cond3A_10 {
      %get3A_65 = arith.constant 0 : index
      %get3A_66 = tpu.vector_load %arg8[%get3A_65] {strides = array<i32>} : memref<512xi32, #tpu.memory_space<vmem>>, vector<16xi32>,
      %get3A_67 = vector.shape_cast %get3A_66 : vector<16xi32> to vector<16xi32>
      %dma_start3A = arith.constant 0 : i32
      %dma_start3A_68 = arith.constant 0 : i32
      %dma_start3A_69 = tpu.memref_slice %arg2[%dma_start3A, %dma_start3A_68] : memref<16384x2048xf32, #tpu.memory_space<hbm>> -> memref<16384x2048xf32, #tpu.memory_space<hbm>>
      tpu.enqueue_indirect_dma source(%dma_start3A_69 : memref<16384x2048xf32, #tpu.memory_space<hbm>>) target(%arg11 : memref<16x2048xf32, #tpu.memory_space<vmem>>) offsets(%get3A_67 : vector<16xi32>) semaphore(%arg14 : memref<!tpu.dma_semaphore, #tpu.memory_space<semaphore_mem>>)
    } else {
    }
    %gt3A_11 = arith.constant 1 : i32
    %gt3A_12 = arith.cmpi sgt, %squeeze3A, %gt3A_11 : i32
    %convert_element_type3A_13 = arith.extui %gt3A_12 : i1 to i32
    %cond3A_14 = arith.constant 0 : i32
    %cond3A_15 = arith.cmpi ne, %convert_element_type3A_13, %cond3A_14 : i32
    scf.if %cond3A_15 {
      %get3A_65 = arith.constant 16 : index
      %get3A_66 = tpu.vector_load %arg8[%get3A_65] {strides = array<i32>} : memref<512xi32, #tpu.memory_space<vmem>>, vector<16xi32>,
      %get3A_67 = vector.shape_cast %get3A_66 : vector<16xi32> to vector<16xi32>
      %dma_start3A = arith.constant 0 : i32
      %dma_start3A_68 = arith.constant 0 : i32
      %dma_start3A_69 = tpu.memref_slice %arg2[%dma_start3A, %dma_start3A_68] : memref<16384x2048xf32, #tpu.memory_space<hbm>> -> memref<16384x2048xf32, #tpu.memory_space<hbm>>
      tpu.enqueue_indirect_dma source(%dma_start3A_69 : memref<16384x2048xf32, #tpu.memory_space<hbm>>) target(%arg12 : memref<16x2048xf32, #tpu.memory_space<vmem>>) offsets(%get3A_67 : vector<16xi32>) semaphore(%arg15 : memref<!tpu.dma_semaphore, #tpu.memory_space<semaphore_mem>>)
    } else {
    }
    %while3A = arith.constant 0 : i32
    %while3A_16 = arith.constant 0 : i32
    %while3A_17 = arith.subi %squeeze3A_8, %while3A_16 : i32
    %while3A_18 = arith.addi %while3A_16, %while3A_17 : i32
    %while3A_19 = arith.constant 1 : i32
    %while3A_20 = arith.divsi %while3A_17, %while3A_19 : i32
    %while3A_21 = arith.muli %while3A_20, %while3A_19 : i32
    %while3A_22 = arith.addi %while3A_16, %while3A_21 : i32
    %while3A_23 = arith.constant 1 : i32
    scf.for %while3A_65 = %while3A_16 to %while3A_22 step %while3A_23  : i32 {
      %mul3A_66 = arith.constant 16 : i32
      %mul3A_67 = arith.muli %while3A_65, %mul3A_66 : i32
      %get3A_68 = arith.index_cast %mul3A_67 : i32 to index
      %get3A_69 = tpu.vector_load %arg9[%get3A_68] {strides = array<i32>} : memref<512xi32, #tpu.memory_space<vmem>>, vector<16xi32>,
      %get3A_70 = vector.shape_cast %get3A_69 : vector<16xi32> to vector<16xi32>
      %dma_start3A = arith.constant 0 : i32
      %dma_start3A_71 = arith.constant 0 : i32
      %dma_start3A_72 = tpu.memref_slice %arg7[%dma_start3A, %dma_start3A_71] : memref<16384x2048xf32, #tpu.memory_space<hbm>> -> memref<16384x2048xf32, #tpu.memory_space<hbm>>
      tpu.enqueue_indirect_dma source(%arg13 : memref<16x2048xf32, #tpu.memory_space<vmem>>) target(%dma_start3A_72 : memref<16384x2048xf32, #tpu.memory_space<hbm>>) offsets(%get3A_70 : vector<16xi32>) semaphore(%arg18 : memref<!tpu.dma_semaphore, #tpu.memory_space<semaphore_mem>>)
    }
    %while3A_24 = arith.constant 1 : i32
    scf.for %while3A_65 = %while3A_22 to %while3A_18 step %while3A_24  : i32 {
      %mul3A_66 = arith.constant 16 : i32
      %mul3A_67 = arith.muli %while3A_65, %mul3A_66 : i32
      %get3A_68 = arith.index_cast %mul3A_67 : i32 to index
      %get3A_69 = tpu.vector_load %arg9[%get3A_68] {strides = array<i32>} : memref<512xi32, #tpu.memory_space<vmem>>, vector<16xi32>,
      %get3A_70 = vector.shape_cast %get3A_69 : vector<16xi32> to vector<16xi32>
      %dma_start3A = arith.constant 0 : i32
      %dma_start3A_71 = arith.constant 0 : i32
      %dma_start3A_72 = tpu.memref_slice %arg7[%dma_start3A, %dma_start3A_71] : memref<16384x2048xf32, #tpu.memory_space<hbm>> -> memref<16384x2048xf32, #tpu.memory_space<hbm>>
      tpu.enqueue_indirect_dma source(%arg13 : memref<16x2048xf32, #tpu.memory_space<vmem>>) target(%dma_start3A_72 : memref<16384x2048xf32, #tpu.memory_space<hbm>>) offsets(%get3A_70 : vector<16xi32>) semaphore(%arg18 : memref<!tpu.dma_semaphore, #tpu.memory_space<semaphore_mem>>)
    }
    %add3A_25 = arith.constant 2 : i32
    %add3A_26 = arith.addi %squeeze3A, %add3A_25 : i32
    %sub3A = arith.constant 1 : i32
    %sub3A_27 = arith.subi %add3A_26, %sub3A : i32
    %jit3A = arith.constant 2 : i32
    %div3A = arith.divsi %sub3A_27, %jit3A : i32
    %sign3A = arith.constant 0 : i32
    %sign3A_28 = arith.cmpi sgt, %sub3A_27, %sign3A : i32
    %sign3A_29 = arith.extui %sign3A_28 : i1 to i32
    %sign3A_30 = arith.constant 0 : i32
    %sign3A_31 = arith.cmpi slt, %sub3A_27, %sign3A_30 : i32
    %sign3A_32 = arith.extui %sign3A_31 : i1 to i32
    %sign3A_33 = arith.subi %sign3A_29, %sign3A_32 : i32
    %sign3A_34 = arith.constant 0 : i32
    %sign3A_35 = arith.cmpi sgt, %jit3A, %sign3A_34 : i32
    %sign3A_36 = arith.extui %sign3A_35 : i1 to i32
    %sign3A_37 = arith.constant 0 : i32
    %sign3A_38 = arith.cmpi slt, %jit3A, %sign3A_37 : i32
    %sign3A_39 = arith.extui %sign3A_38 : i1 to i32
    %sign3A_40 = arith.subi %sign3A_36, %sign3A_39 : i32
    %ne3A = arith.cmpi ne, %sign3A_33, %sign3A_40 : i32
    %rem3A = arith.remsi %sub3A_27, %jit3A : i32
    %ne3A_41 = arith.constant 0 : i32
    %ne3A_42 = arith.cmpi ne, %rem3A, %ne3A_41 : i32
    %and3A = arith.andi %ne3A, %ne3A_42 : i1
    %sub3A_43 = arith.constant 1 : i32
    %sub3A_44 = arith.subi %div3A, %sub3A_43 : i32
    %select_n3A = arith.select %and3A, %sub3A_44, %div3A : i32
    %while3A_45 = arith.constant 0 : i32
    %while3A_46 = arith.constant 0 : i32
    %while3A_47 = arith.subi %select_n3A, %while3A_46 : i32
    %while3A_48 = arith.addi %while3A_46, %while3A_47 : i32
    %while3A_49 = arith.constant 1 : i32
    %while3A_50 = arith.divsi %while3A_47, %while3A_49 : i32
    %while3A_51 = arith.muli %while3A_50, %while3A_49 : i32
    %while3A_52 = arith.addi %while3A_46, %while3A_51 : i32
    %while3A_53 = arith.constant 1 : i32
    scf.for %while3A_65 = %while3A_46 to %while3A_52 step %while3A_53  : i32 {
      %mul3A_66 = arith.constant 2 : i32
      %mul3A_67 = arith.muli %mul3A_66, %while3A_65 : i32
      %add3A_68 = arith.constant 0 : i32
      %add3A_69 = arith.addi %mul3A_67, %add3A_68 : i32
      %lt3A = arith.cmpi slt, %add3A_69, %squeeze3A : i32
      %convert_element_type3A_70 = arith.extui %lt3A : i1 to i32
      %cond3A_71 = arith.constant 0 : i32
      %cond3A_72 = arith.cmpi ne, %convert_element_type3A_70, %cond3A_71 : i32
      scf.if %cond3A_72 {
        %mul3A_81 = arith.constant 16 : i32
        %mul3A_82 = arith.muli %add3A_69, %mul3A_81 : i32
        %get3A_83 = arith.index_cast %mul3A_82 : i32 to index
        %get3A_84 = tpu.vector_load %arg8[%get3A_83] {strides = array<i32>} : memref<512xi32, #tpu.memory_space<vmem>>, vector<16xi32>,
        %get3A_85 = vector.shape_cast %get3A_84 : vector<16xi32> to vector<16xi32>
        %dma_wait3A = arith.constant 0 : i32
        %dma_wait3A_86 = arith.constant 0 : i32
        %dma_wait3A_87 = tpu.memref_slice %arg2[%dma_wait3A, %dma_wait3A_86] : memref<16384x2048xf32, #tpu.memory_space<hbm>> -> memref<16384x2048xf32, #tpu.memory_space<hbm>>
        tpu.wait_indirect_dma semaphore(%arg14 : memref<!tpu.dma_semaphore, #tpu.memory_space<semaphore_mem>>) src(%dma_wait3A_87 : memref<16384x2048xf32, #tpu.memory_space<hbm>>) dst(%arg11 : memref<16x2048xf32, #tpu.memory_space<vmem>>)
        %dma_start3A = arith.constant 0 : i32
        %dma_start3A_88 = arith.constant 0 : i32
        %dma_start3A_89 = tpu.memref_slice %arg7[%dma_start3A, %dma_start3A_88] : memref<16384x2048xf32, #tpu.memory_space<hbm>> -> memref<16384x2048xf32, #tpu.memory_space<hbm>>
        tpu.enqueue_indirect_dma source(%arg11 : memref<16x2048xf32, #tpu.memory_space<vmem>>) target(%dma_start3A_89 : memref<16384x2048xf32, #tpu.memory_space<hbm>>) offsets(%get3A_85 : vector<16xi32>) semaphore(%arg16 : memref<!tpu.dma_semaphore, #tpu.memory_space<semaphore_mem>>)
        %dma_wait3A_90 = arith.constant 0 : i32
        %dma_wait3A_91 = arith.constant 0 : i32
        %dma_wait3A_92 = tpu.memref_slice %arg7[%dma_wait3A_90, %dma_wait3A_91] : memref<16384x2048xf32, #tpu.memory_space<hbm>> -> memref<16384x2048xf32, #tpu.memory_space<hbm>>
        tpu.wait_indirect_dma semaphore(%arg16 : memref<!tpu.dma_semaphore, #tpu.memory_space<semaphore_mem>>) src(%arg11 : memref<16x2048xf32, #tpu.memory_space<vmem>>) dst(%dma_wait3A_92 : memref<16384x2048xf32, #tpu.memory_space<hbm>>)
        %add3A_93 = arith.constant 2 : i32
        %add3A_94 = arith.addi %add3A_69, %add3A_93 : i32
        %lt3A_95 = arith.cmpi slt, %add3A_94, %squeeze3A : i32
        %convert_element_type3A_96 = arith.extui %lt3A_95 : i1 to i32
        %cond3A_97 = arith.constant 0 : i32
        %cond3A_98 = arith.cmpi ne, %convert_element_type3A_96, %cond3A_97 : i32
        scf.if %cond3A_98 {
          %add3A_99 = arith.constant 2 : i32
          %add3A_100 = arith.addi %add3A_69, %add3A_99 : i32
          %mul3A_101 = arith.constant 16 : i32
          %mul3A_102 = arith.muli %add3A_100, %mul3A_101 : i32
          %get3A_103 = arith.index_cast %mul3A_102 : i32 to index
          %get3A_104 = tpu.vector_load %arg8[%get3A_103] {strides = array<i32>} : memref<512xi32, #tpu.memory_space<vmem>>, vector<16xi32>,
          %get3A_105 = vector.shape_cast %get3A_104 : vector<16xi32> to vector<16xi32>
          %dma_start3A_106 = arith.constant 0 : i32
          %dma_start3A_107 = arith.constant 0 : i32
          %dma_start3A_108 = tpu.memref_slice %arg2[%dma_start3A_106, %dma_start3A_107] : memref<16384x2048xf32, #tpu.memory_space<hbm>> -> memref<16384x2048xf32, #tpu.memory_space<hbm>>
          tpu.enqueue_indirect_dma source(%dma_start3A_108 : memref<16384x2048xf32, #tpu.memory_space<hbm>>) target(%arg11 : memref<16x2048xf32, #tpu.memory_space<vmem>>) offsets(%get3A_105 : vector<16xi32>) semaphore(%arg14 : memref<!tpu.dma_semaphore, #tpu.memory_space<semaphore_mem>>)
        } else {
        }
      } else {
      }
      %mul3A_73 = arith.constant 2 : i32
      %mul3A_74 = arith.muli %mul3A_73, %while3A_65 : i32
      %add3A_75 = arith.constant 1 : i32
      %add3A_76 = arith.addi %mul3A_74, %add3A_75 : i32
      %lt3A_77 = arith.cmpi slt, %add3A_76, %squeeze3A : i32
      %convert_element_type3A_78 = arith.extui %lt3A_77 : i1 to i32
      %cond3A_79 = arith.constant 0 : i32
      %cond3A_80 = arith.cmpi ne, %convert_element_type3A_78, %cond3A_79 : i32
      scf.if %cond3A_80 {
        %mul3A_81 = arith.constant 16 : i32
        %mul3A_82 = arith.muli %add3A_76, %mul3A_81 : i32
        %get3A_83 = arith.index_cast %mul3A_82 : i32 to index
        %get3A_84 = tpu.vector_load %arg8[%get3A_83] {strides = array<i32>} : memref<512xi32, #tpu.memory_space<vmem>>, vector<16xi32>,
        %get3A_85 = vector.shape_cast %get3A_84 : vector<16xi32> to vector<16xi32>
        %dma_wait3A = arith.constant 0 : i32
        %dma_wait3A_86 = arith.constant 0 : i32
        %dma_wait3A_87 = tpu.memref_slice %arg2[%dma_wait3A, %dma_wait3A_86] : memref<16384x2048xf32, #tpu.memory_space<hbm>> -> memref<16384x2048xf32, #tpu.memory_space<hbm>>
        tpu.wait_indirect_dma semaphore(%arg15 : memref<!tpu.dma_semaphore, #tpu.memory_space<semaphore_mem>>) src(%dma_wait3A_87 : memref<16384x2048xf32, #tpu.memory_space<hbm>>) dst(%arg12 : memref<16x2048xf32, #tpu.memory_space<vmem>>)
        %dma_start3A = arith.constant 0 : i32
        %dma_start3A_88 = arith.constant 0 : i32
        %dma_start3A_89 = tpu.memref_slice %arg7[%dma_start3A, %dma_start3A_88] : memref<16384x2048xf32, #tpu.memory_space<hbm>> -> memref<16384x2048xf32, #tpu.memory_space<hbm>>
        tpu.enqueue_indirect_dma source(%arg12 : memref<16x2048xf32, #tpu.memory_space<vmem>>) target(%dma_start3A_89 : memref<16384x2048xf32, #tpu.memory_space<hbm>>) offsets(%get3A_85 : vector<16xi32>) semaphore(%arg17 : memref<!tpu.dma_semaphore, #tpu.memory_space<semaphore_mem>>)
        %dma_wait3A_90 = arith.constant 0 : i32
        %dma_wait3A_91 = arith.constant 0 : i32
        %dma_wait3A_92 = tpu.memref_slice %arg7[%dma_wait3A_90, %dma_wait3A_91] : memref<16384x2048xf32, #tpu.memory_space<hbm>> -> memref<16384x2048xf32, #tpu.memory_space<hbm>>
        tpu.wait_indirect_dma semaphore(%arg17 : memref<!tpu.dma_semaphore, #tpu.memory_space<semaphore_mem>>) src(%arg12 : memref<16x2048xf32, #tpu.memory_space<vmem>>) dst(%dma_wait3A_92 : memref<16384x2048xf32, #tpu.memory_space<hbm>>)
        %add3A_93 = arith.constant 2 : i32
        %add3A_94 = arith.addi %add3A_76, %add3A_93 : i32
        %lt3A_95 = arith.cmpi slt, %add3A_94, %squeeze3A : i32
        %convert_element_type3A_96 = arith.extui %lt3A_95 : i1 to i32
        %cond3A_97 = arith.constant 0 : i32
        %cond3A_98 = arith.cmpi ne, %convert_element_type3A_96, %cond3A_97 : i32
        scf.if %cond3A_98 {
          %add3A_99 = arith.constant 2 : i32
          %add3A_100 = arith.addi %add3A_76, %add3A_99 : i32
          %mul3A_101 = arith.constant 16 : i32
          %mul3A_102 = arith.muli %add3A_100, %mul3A_101 : i32
          %get3A_103 = arith.index_cast %mul3A_102 : i32 to index
          %get3A_104 = tpu.vector_load %arg8[%get3A_103] {strides = array<i32>} : memref<512xi32, #tpu.memory_space<vmem>>, vector<16xi32>,
          %get3A_105 = vector.shape_cast %get3A_104 : vector<16xi32> to vector<16xi32>
          %dma_start3A_106 = arith.constant 0 : i32
          %dma_start3A_107 = arith.constant 0 : i32
          %dma_start3A_108 = tpu.memref_slice %arg2[%dma_start3A_106, %dma_start3A_107] : memref<16384x2048xf32, #tpu.memory_space<hbm>> -> memref<16384x2048xf32, #tpu.memory_space<hbm>>
          tpu.enqueue_indirect_dma source(%dma_start3A_108 : memref<16384x2048xf32, #tpu.memory_space<hbm>>) target(%arg12 : memref<16x2048xf32, #tpu.memory_space<vmem>>) offsets(%get3A_105 : vector<16xi32>) semaphore(%arg15 : memref<!tpu.dma_semaphore, #tpu.memory_space<semaphore_mem>>)
        } else {
        }
      } else {
      }
    }
    %while3A_54 = arith.constant 1 : i32
    scf.for %while3A_65 = %while3A_52 to %while3A_48 step %while3A_54  : i32 {
      %mul3A_66 = arith.constant 2 : i32
      %mul3A_67 = arith.muli %mul3A_66, %while3A_65 : i32
      %add3A_68 = arith.constant 0 : i32
      %add3A_69 = arith.addi %mul3A_67, %add3A_68 : i32
      %lt3A = arith.cmpi slt, %add3A_69, %squeeze3A : i32
      %convert_element_type3A_70 = arith.extui %lt3A : i1 to i32
      %cond3A_71 = arith.constant 0 : i32
      %cond3A_72 = arith.cmpi ne, %convert_element_type3A_70, %cond3A_71 : i32
      scf.if %cond3A_72 {
        %mul3A_81 = arith.constant 16 : i32
        %mul3A_82 = arith.muli %add3A_69, %mul3A_81 : i32
        %get3A_83 = arith.index_cast %mul3A_82 : i32 to index
        %get3A_84 = tpu.vector_load %arg8[%get3A_83] {strides = array<i32>} : memref<512xi32, #tpu.memory_space<vmem>>, vector<16xi32>,
        %get3A_85 = vector.shape_cast %get3A_84 : vector<16xi32> to vector<16xi32>
        %dma_wait3A = arith.constant 0 : i32
        %dma_wait3A_86 = arith.constant 0 : i32
        %dma_wait3A_87 = tpu.memref_slice %arg2[%dma_wait3A, %dma_wait3A_86] : memref<16384x2048xf32, #tpu.memory_space<hbm>> -> memref<16384x2048xf32, #tpu.memory_space<hbm>>
        tpu.wait_indirect_dma semaphore(%arg14 : memref<!tpu.dma_semaphore, #tpu.memory_space<semaphore_mem>>) src(%dma_wait3A_87 : memref<16384x2048xf32, #tpu.memory_space<hbm>>) dst(%arg11 : memref<16x2048xf32, #tpu.memory_space<vmem>>)
        %dma_start3A = arith.constant 0 : i32
        %dma_start3A_88 = arith.constant 0 : i32
        %dma_start3A_89 = tpu.memref_slice %arg7[%dma_start3A, %dma_start3A_88] : memref<16384x2048xf32, #tpu.memory_space<hbm>> -> memref<16384x2048xf32, #tpu.memory_space<hbm>>
        tpu.enqueue_indirect_dma source(%arg11 : memref<16x2048xf32, #tpu.memory_space<vmem>>) target(%dma_start3A_89 : memref<16384x2048xf32, #tpu.memory_space<hbm>>) offsets(%get3A_85 : vector<16xi32>) semaphore(%arg16 : memref<!tpu.dma_semaphore, #tpu.memory_space<semaphore_mem>>)
        %dma_wait3A_90 = arith.constant 0 : i32
        %dma_wait3A_91 = arith.constant 0 : i32
        %dma_wait3A_92 = tpu.memref_slice %arg7[%dma_wait3A_90, %dma_wait3A_91] : memref<16384x2048xf32, #tpu.memory_space<hbm>> -> memref<16384x2048xf32, #tpu.memory_space<hbm>>
        tpu.wait_indirect_dma semaphore(%arg16 : memref<!tpu.dma_semaphore, #tpu.memory_space<semaphore_mem>>) src(%arg11 : memref<16x2048xf32, #tpu.memory_space<vmem>>) dst(%dma_wait3A_92 : memref<16384x2048xf32, #tpu.memory_space<hbm>>)
        %add3A_93 = arith.constant 2 : i32
        %add3A_94 = arith.addi %add3A_69, %add3A_93 : i32
        %lt3A_95 = arith.cmpi slt, %add3A_94, %squeeze3A : i32
        %convert_element_type3A_96 = arith.extui %lt3A_95 : i1 to i32
        %cond3A_97 = arith.constant 0 : i32
        %cond3A_98 = arith.cmpi ne, %convert_element_type3A_96, %cond3A_97 : i32
        scf.if %cond3A_98 {
          %add3A_99 = arith.constant 2 : i32
          %add3A_100 = arith.addi %add3A_69, %add3A_99 : i32
          %mul3A_101 = arith.constant 16 : i32
          %mul3A_102 = arith.muli %add3A_100, %mul3A_101 : i32
          %get3A_103 = arith.index_cast %mul3A_102 : i32 to index
          %get3A_104 = tpu.vector_load %arg8[%get3A_103] {strides = array<i32>} : memref<512xi32, #tpu.memory_space<vmem>>, vector<16xi32>,
          %get3A_105 = vector.shape_cast %get3A_104 : vector<16xi32> to vector<16xi32>
          %dma_start3A_106 = arith.constant 0 : i32
          %dma_start3A_107 = arith.constant 0 : i32
          %dma_start3A_108 = tpu.memref_slice %arg2[%dma_start3A_106, %dma_start3A_107] : memref<16384x2048xf32, #tpu.memory_space<hbm>> -> memref<16384x2048xf32, #tpu.memory_space<hbm>>
          tpu.enqueue_indirect_dma source(%dma_start3A_108 : memref<16384x2048xf32, #tpu.memory_space<hbm>>) target(%arg11 : memref<16x2048xf32, #tpu.memory_space<vmem>>) offsets(%get3A_105 : vector<16xi32>) semaphore(%arg14 : memref<!tpu.dma_semaphore, #tpu.memory_space<semaphore_mem>>)
        } else {
        }
      } else {
      }
      %mul3A_73 = arith.constant 2 : i32
      %mul3A_74 = arith.muli %mul3A_73, %while3A_65 : i32
      %add3A_75 = arith.constant 1 : i32
      %add3A_76 = arith.addi %mul3A_74, %add3A_75 : i32
      %lt3A_77 = arith.cmpi slt, %add3A_76, %squeeze3A : i32
      %convert_element_type3A_78 = arith.extui %lt3A_77 : i1 to i32
      %cond3A_79 = arith.constant 0 : i32
      %cond3A_80 = arith.cmpi ne, %convert_element_type3A_78, %cond3A_79 : i32
      scf.if %cond3A_80 {
        %mul3A_81 = arith.constant 16 : i32
        %mul3A_82 = arith.muli %add3A_76, %mul3A_81 : i32
        %get3A_83 = arith.index_cast %mul3A_82 : i32 to index
        %get3A_84 = tpu.vector_load %arg8[%get3A_83] {strides = array<i32>} : memref<512xi32, #tpu.memory_space<vmem>>, vector<16xi32>,
        %get3A_85 = vector.shape_cast %get3A_84 : vector<16xi32> to vector<16xi32>
        %dma_wait3A = arith.constant 0 : i32
        %dma_wait3A_86 = arith.constant 0 : i32
        %dma_wait3A_87 = tpu.memref_slice %arg2[%dma_wait3A, %dma_wait3A_86] : memref<16384x2048xf32, #tpu.memory_space<hbm>> -> memref<16384x2048xf32, #tpu.memory_space<hbm>>
        tpu.wait_indirect_dma semaphore(%arg15 : memref<!tpu.dma_semaphore, #tpu.memory_space<semaphore_mem>>) src(%dma_wait3A_87 : memref<16384x2048xf32, #tpu.memory_space<hbm>>) dst(%arg12 : memref<16x2048xf32, #tpu.memory_space<vmem>>)
        %dma_start3A = arith.constant 0 : i32
        %dma_start3A_88 = arith.constant 0 : i32
        %dma_start3A_89 = tpu.memref_slice %arg7[%dma_start3A, %dma_start3A_88] : memref<16384x2048xf32, #tpu.memory_space<hbm>> -> memref<16384x2048xf32, #tpu.memory_space<hbm>>
        tpu.enqueue_indirect_dma source(%arg12 : memref<16x2048xf32, #tpu.memory_space<vmem>>) target(%dma_start3A_89 : memref<16384x2048xf32, #tpu.memory_space<hbm>>) offsets(%get3A_85 : vector<16xi32>) semaphore(%arg17 : memref<!tpu.dma_semaphore, #tpu.memory_space<semaphore_mem>>)
        %dma_wait3A_90 = arith.constant 0 : i32
        %dma_wait3A_91 = arith.constant 0 : i32
        %dma_wait3A_92 = tpu.memref_slice %arg7[%dma_wait3A_90, %dma_wait3A_91] : memref<16384x2048xf32, #tpu.memory_space<hbm>> -> memref<16384x2048xf32, #tpu.memory_space<hbm>>
        tpu.wait_indirect_dma semaphore(%arg17 : memref<!tpu.dma_semaphore, #tpu.memory_space<semaphore_mem>>) src(%arg12 : memref<16x2048xf32, #tpu.memory_space<vmem>>) dst(%dma_wait3A_92 : memref<16384x2048xf32, #tpu.memory_space<hbm>>)
        %add3A_93 = arith.constant 2 : i32
        %add3A_94 = arith.addi %add3A_76, %add3A_93 : i32
        %lt3A_95 = arith.cmpi slt, %add3A_94, %squeeze3A : i32
        %convert_element_type3A_96 = arith.extui %lt3A_95 : i1 to i32
        %cond3A_97 = arith.constant 0 : i32
        %cond3A_98 = arith.cmpi ne, %convert_element_type3A_96, %cond3A_97 : i32
        scf.if %cond3A_98 {
          %add3A_99 = arith.constant 2 : i32
          %add3A_100 = arith.addi %add3A_76, %add3A_99 : i32
          %mul3A_101 = arith.constant 16 : i32
          %mul3A_102 = arith.muli %add3A_100, %mul3A_101 : i32
          %get3A_103 = arith.index_cast %mul3A_102 : i32 to index
          %get3A_104 = tpu.vector_load %arg8[%get3A_103] {strides = array<i32>} : memref<512xi32, #tpu.memory_space<vmem>>, vector<16xi32>,
          %get3A_105 = vector.shape_cast %get3A_104 : vector<16xi32> to vector<16xi32>
          %dma_start3A_106 = arith.constant 0 : i32
          %dma_start3A_107 = arith.constant 0 : i32
          %dma_start3A_108 = tpu.memref_slice %arg2[%dma_start3A_106, %dma_start3A_107] : memref<16384x2048xf32, #tpu.memory_space<hbm>> -> memref<16384x2048xf32, #tpu.memory_space<hbm>>
          tpu.enqueue_indirect_dma source(%dma_start3A_108 : memref<16384x2048xf32, #tpu.memory_space<hbm>>) target(%arg12 : memref<16x2048xf32, #tpu.memory_space<vmem>>) offsets(%get3A_105 : vector<16xi32>) semaphore(%arg15 : memref<!tpu.dma_semaphore, #tpu.memory_space<semaphore_mem>>)
        } else {
        }
      } else {
      }
    }
    %while3A_55 = arith.constant 0 : i32
    %while3A_56 = arith.constant 0 : i32
    %while3A_57 = arith.subi %squeeze3A_8, %while3A_56 : i32
    %while3A_58 = arith.addi %while3A_56, %while3A_57 : i32
    %while3A_59 = arith.constant 1 : i32
    %while3A_60 = arith.divsi %while3A_57, %while3A_59 : i32
    %while3A_61 = arith.muli %while3A_60, %while3A_59 : i32
    %while3A_62 = arith.addi %while3A_56, %while3A_61 : i32
    %while3A_63 = arith.constant 1 : i32
    scf.for %while3A_65 = %while3A_56 to %while3A_62 step %while3A_63  : i32 {
      %get3A_66 = arith.constant 0 : index
      %get3A_67 = tpu.vector_load %arg9[%get3A_66] {strides = array<i32>} : memref<512xi32, #tpu.memory_space<vmem>>, vector<16xi32>,
      %get3A_68 = vector.shape_cast %get3A_67 : vector<16xi32> to vector<16xi32>
      %dma_wait3A = arith.constant 0 : i32
      %dma_wait3A_69 = arith.constant 0 : i32
      %dma_wait3A_70 = tpu.memref_slice %arg7[%dma_wait3A, %dma_wait3A_69] : memref<16384x2048xf32, #tpu.memory_space<hbm>> -> memref<16384x2048xf32, #tpu.memory_space<hbm>>
      tpu.wait_indirect_dma semaphore(%arg18 : memref<!tpu.dma_semaphore, #tpu.memory_space<semaphore_mem>>) src(%arg13 : memref<16x2048xf32, #tpu.memory_space<vmem>>) dst(%dma_wait3A_70 : memref<16384x2048xf32, #tpu.memory_space<hbm>>)
    }
    %while3A_64 = arith.constant 1 : i32
    scf.for %while3A_65 = %while3A_62 to %while3A_58 step %while3A_64  : i32 {
      %get3A_66 = arith.constant 0 : index
      %get3A_67 = tpu.vector_load %arg9[%get3A_66] {strides = array<i32>} : memref<512xi32, #tpu.memory_space<vmem>>, vector<16xi32>,
      %get3A_68 = vector.shape_cast %get3A_67 : vector<16xi32> to vector<16xi32>
      %dma_wait3A = arith.constant 0 : i32
      %dma_wait3A_69 = arith.constant 0 : i32
      %dma_wait3A_70 = tpu.memref_slice %arg7[%dma_wait3A, %dma_wait3A_69] : memref<16384x2048xf32, #tpu.memory_space<hbm>> -> memref<16384x2048xf32, #tpu.memory_space<hbm>>
      tpu.wait_indirect_dma semaphore(%arg18 : memref<!tpu.dma_semaphore, #tpu.memory_space<semaphore_mem>>) src(%arg13 : memref<16x2048xf32, #tpu.memory_space<vmem>>) dst(%dma_wait3A_70 : memref<16384x2048xf32, #tpu.memory_space<hbm>>)
    }
    return
  }
}

</mosaic_0001>

<sc_bundles>
// kernel: kernel.3.cloned.1.call-start
scs
__scs_entry_jumppad:
0x0: {  	(pc) =	sbr.rel $0x88, $3  }
0x1: {  	(tag) =	ssettag $0x0;
	lr =	simm.s32 $0x1  }
0x2: {  	[smem:$0x3F9E] =	sst lr;
	_ =	strace $0xD0000000  }
0x3: {  	_ = 	snop  }
0x4: {  	_ = 	snop  }
0x5: {  	_ = 	snop  }
0x6: {  	_ = 	snop  }
0x7: {  	_ = 	snop  }
__scs_overlays_trampoline_lowered:
0x8: {  	[smem:$0x3FAD] =	sst s0  }
0x9: {  	[smem:$0x3FAE] =	sst s1  }
0xa: {  	[smem:$0x3FAF] =	sst s2  }
0xb: {  	[smem:$0x3FB0] =	sst s3  }
0xc: {  	[smem:$0x3FB1] =	sst s4  }
0xd: {  	[smem:$0x3FB2] =	sst s5  }
0xe: {  	[smem:$0x3FB3] =	sst s6  }
0xf: {  	[smem:$0x3FB4] =	sst s7  }
0x10: {  	[smem:$0x3FB5] =	sst s8  }
0x11: {  	[smem:$0x3FB6] =	sst s9;
	s0 =	simm.s32 @!p0 $0x0  }
0x12: {  	s1 =	sld [smem:$0x3F9C];
	s0 =	simm.s32 @p0 $0x1  }
0x13: {  	[smem:$0x3FB7] =	sst s0;
	s0 =	simm.s32 @!p1 $0x0  }
0x14: {  	s2 =	sld [smem:$0x3F9B];
	s0 =	simm.s32 @p1 $0x1  }
0x15: {  	[smem:$0x3FB8] =	sst s0;
	s0 =	simm.s32 @!p2 $0x0  }
0x16: {  	s3 =	sld [smem:$0x3FDB];
	s0 =	simm.s32 @p2 $0x1  }
0x17: {  	s4 =	simm.s32 $0x1BF5;
	[smem:$0x3FBA] =	sst s0  }
0x18: {  	s0 =	sld [smem:$0x3F9D];
	_ =	swait.ge [sflag:s4], $0x0  }
0x19: {  	s7 =	sld [smem:$0x3F9E]  }
0x1a: {  	s8 =	sadd.s32 $0xFFFFE003, lr  }
0x1b: {  	s9 =	sadd.s32 $0xFFFFFEF7, lr;
	s5 =	simm.s32 $0xFFFFFFFF;
	p2 =	slt.u32 s8, $0xFFFFF086  }
0x1c: {  	p1 =	slt.u32 s9, $0xF7A;
	s5 =	simm.s32 @!p2 $0x0  }
0x1d: {  	s5 =	simm.s32 @p1 $0x1;
	p0 =	seq.s32 s7, s2  }
0x1e: {  	s7 =	smul.u32 @!p0 $0xF7A, s2;
	p2 =	seq.s32 @!p0 s5, $0x0  }
0x1f: {  	s9 =	smul.u32 $0xF7A, s1;
	s8 =	simm.s32 @!p0 $0x1BF5;
	p2 =	por !p2, p0  }
0x20: {  	[sflag:s8] =	ssyncset.s32 @!p0 $0xFFFFF086;
	s6 =	sadd.s32 @!p0 s3, s7;
	s7 =	simm.s32 @!p0 $0x108  }
0x21: {  	s3 =	sadd.s32 s3, s9;
	s6 =	sadd.s32 @!p0 $0x88, s6;
	s7 =	simm.s32 @p2 $0x1082  }
0x22: {  	[simem:s7], [sflag:s8] =	dma.local @!p0 [hbm:s6], $0xF7A  }
0x23: {  	s9 =	sor.u32 $0xD0000000, s2;
	s6 =	simm.s32 $0x108;
	_ =	swait.ge @!p0 [sflag:s8], $0x0  }
0x24: {  	s3 =	sadd.s32 $0x88, s3;
	s6 =	simm.s32 @!p1 $0x1082;
	[sflag:s4] =	ssyncset.s32 $0xFFFFF086  }
0x25: {  	[simem:s6], [sflag:s4] =	dma.local [hbm:s3], $0xF7A  }
0x26: {  	[smem:$0x3F9E] =	sst s1;
	(tag) =	ssettag s2;
	_ =	strace s9  }
0x27: {  	s1 =	sld [smem:$0x3FAE]  }
0x28: {  	s2 =	sld [smem:$0x3FAF]  }
0x29: {  	s4 =	sld [smem:$0x3FB1]  }
0x2a: {  	p0 =	seq.s32 s5, $0x0;
	s5 =	sld [smem:$0x3FB2]  }
0x2b: {  	s6 =	sld [smem:$0x3FB3]  }
0x2c: {  	s7 =	sld [smem:$0x3FB4]  }
0x2d: {  	s3 =	simm.s32 $0x108;
	s8 =	sld [smem:$0x3FB5]  }
0x2e: {  	s3 =	simm.s32 @!p0 $0x1082;
	s9 =	sld [smem:$0x3FB6]  }
0x2f: {  	lr =	sadd.s32 s0, s3;
	s0 =	sld [smem:$0x3FAD]  }
0x30: {  	s3 =	sld [smem:$0x3FB0]  }
0x31: {  	[smem:$0x3FB9] =	sst s10  }
0x32: {  	s10 =	sld [smem:$0x3FB7];
	_ =	sdelay $0x3  }
0x33: {  	p0 =	seq.s32 s10, $0x1;
	s10 =	sld [smem:$0x3FB9];
	_ =	sdelay $0x3  }
0x34: {  	[smem:$0x3FB9] =	sst s10  }
0x35: {  	s10 =	sld [smem:$0x3FB8];
	_ =	sdelay $0x3  }
0x36: {  	p1 =	seq.s32 s10, $0x1;
	s10 =	sld [smem:$0x3FB9];
	_ =	sdelay $0x3  }
0x37: {  	[smem:$0x3FB9] =	sst s10  }
0x38: {  	s10 =	sld [smem:$0x3FBA]  }
0x39: {  	_ = 	snop;
	(pc) =	sbr.ind lr, $3  }
0x3a: {  	_ = 	snop  }
0x3b: {  	_ = 	snop  }
0x3c: {  	p2 =	seq.s32 s10, $0x1;
	s10 =	sld [smem:$0x3FB9]  }
0x3d: {  	_ =	shalt  }
0x3e: {  	_ =	shalt  }
0x3f: {  	_ =	shalt  }
0x40: {  	_ =	shalt  }
0x41: {  	_ =	shalt  }
0x42: {  	_ =	shalt  }
0x43: {  	_ =	shalt  }
0x44: {  	_ =	shalt  }
0x45: {  	_ =	shalt  }
0x46: {  	_ =	shalt  }
0x47: {  	_ =	shalt  }
0x48: {  	_ =	shalt  }
0x49: {  	_ =	shalt  }
0x4a: {  	_ =	shalt  }
0x4b: {  	_ =	shalt  }
0x4c: {  	_ =	shalt  }
0x4d: {  	_ =	shalt  }
0x4e: {  	_ =	shalt  }
0x4f: {  	_ =	shalt  }
0x50: {  	_ =	shalt  }
0x51: {  	_ =	shalt  }
0x52: {  	_ =	shalt  }
0x53: {  	_ =	shalt  }
0x54: {  	_ =	shalt  }
0x55: {  	_ =	shalt  }
0x56: {  	_ =	shalt  }
0x57: {  	_ =	shalt  }
0x58: {  	_ =	shalt  }
0x59: {  	_ =	shalt  }
0x5a: {  	_ =	shalt  }
0x5b: {  	_ =	shalt  }
0x5c: {  	_ =	shalt  }
0x5d: {  	_ =	shalt  }
0x5e: {  	_ =	shalt  }
0x5f: {  	_ =	shalt  }
0x60: {  	_ =	shalt  }
0x61: {  	_ =	shalt  }
0x62: {  	_ =	shalt  }
0x63: {  	_ =	shalt  }
0x64: {  	_ =	shalt  }
0x65: {  	_ =	shalt  }
0x66: {  	_ =	shalt  }
0x67: {  	_ =	shalt  }
0x68: {  	_ =	shalt  }
0x69: {  	_ =	shalt  }
0x6a: {  	_ =	shalt  }
0x6b: {  	_ =	shalt  }
0x6c: {  	_ =	shalt  }
0x6d: {  	_ =	shalt  }
0x6e: {  	_ =	shalt  }
0x6f: {  	_ =	shalt  }
0x70: {  	_ =	shalt  }
0x71: {  	_ =	shalt  }
0x72: {  	_ =	shalt  }
0x73: {  	_ =	shalt  }
0x74: {  	_ =	shalt  }
0x75: {  	_ =	shalt  }
0x76: {  	_ =	shalt  }
0x77: {  	_ =	shalt  }
0x78: {  	_ =	shalt  }
0x79: {  	_ =	shalt  }
0x7a: {  	_ =	shalt  }
0x7b: {  	_ =	shalt  }
0x7c: {  	_ =	shalt  }
0x7d: {  	_ =	shalt  }
0x7e: {  	_ =	shalt  }
0x7f: {  	_ =	shalt  }
0x80: {  	_ =	shalt  }
0x81: {  	_ =	shalt  }
0x82: {  	_ =	shalt  }
0x83: {  	_ =	shalt  }
0x84: {  	_ =	shalt  }
0x85: {  	_ =	shalt  }
0x86: {  	_ =	shalt  }
0x87: {  	_ =	shalt  }
.Lfunc_end0:
.L_simem_size_0:
called_computation_lowered:
.L_overlay_start_0:
0x88: {  	s2 =	sld [smem:$0x3FD9]  }
0x89: {  	s3 =	sld [smem:$0x3FFE];
	_ =	sdelay $0x1  }
0x8a: {  	s1 =	srdreg.scid  }
0x8b: {  	s0 =	sand.u32 $0x1, s1  }
0x8c: {  	s17 =	sshll.u32 s0, $0xA;
	s2 =	sadd.s32 s3, s2  }
0x8d: {  	s2 =	sadd.s32 s2, s17  }
0x8e: {  	[smem:$0x3FC5] =	sst s2  }
0x8f: {  	_ = 	snop  }
0x90: {  	s2 =	sld [smem:$0x3FC9]  }
0x91: {  	s18 =	sld [smem:$0x3FD0];
	(tm) =	ssettm $0x1  }
0x92: {  	s4 =	sld [smem:$0x3FFB];
	_ =	sdelay $0x3  }
0x93: {  	_ =	strace s4  }
0x94: {  	s4 =	sld [smem:$0x3FFC];
	_ =	sdelay $0x3  }
0x95: {  	_ =	strace s4  }
0x96: {  	s4 =	sld [smem:$0x3FFD];
	_ =	sdelay $0x3  }
0x97: {  	_ =	strace s4  }
0x98: {  	_ =	strace $0x8FFFFFFF  }
0x99: {  	s19 =	sld [smem:$0x3FDB];
	_ =	sdelay $0x1  }
0x9a: {  	s5 =	simm.s32 $_scs_section_size  }
0x9b: {  	s6 =	simm.s32 $_size__tile_overlayer_lowered;
	s7 =	simm.s32 $_tile_overlayer_lowered  }
0x9c: {  	s22 =	simm.s32 $0x1BFF;
	s21 =	sshll.u32 s7, $0x1;
	s4 =	sadd.s32 s5, s19  }
0x9d: {  	s8 =	simm.s32 $0x0;
	s20 =	sshll.u32 s6, $0x1;
	s6 =	sadd.s32 s21, s4  }
0x9e: {  	[timem:s8], [sflag:s22] =	dma.local [hbm:s6], s20  }
0x9f: {  	_ =	swait.ge [sflag:s22], s20  }
0xa0: {  	s5 =	ssub.s32 $0x0, s20;
	[sflag:s22] =	ssyncset.done $0x0  }
0xa1: {  	[sflag:s22] =	ssyncadd.s32 s5;
	_ =	sdelay $0x1  }
0xa2: {  	s23 =	simm.s32 $0x1B8B  }
0xa3: {  	_ =	swait.ge [sflag:s23], $0x1  }
0xa4: {  	[sflag:s23] =	ssyncset.done $0x0  }
0xa5: {  	s25 =	simm.s32 $0x1B8E;
	s24 =	sld [smem:$0x3FFE];
	[sflag:s23] =	ssyncadd.s32 $0xFFFFFFFF  }
0xa6: {  	s26 =	simm.s32 $execute0_lowered;
	[smem:$0x3FD2] =	sst s25  }
0xa7: {  	s6 =	sshll.u32 s26, $0x1;
	_ =	strace $0x80000046;
	[dreg:$0x1] =	wrdreg $0xFFFFFFFF  }
0xa8: {  	s28 =	simm.s32 $_size_execute0_lowered;
	s4 =	sadd.s32 s4, s6;
	[dreg:$0x0] =	wrdreg $0x0  }
0xa9: {  	s6 =	sshll.u32 s28, $0x1;
	[dreg:$0x2] =	wrdreg s4  }
0xaa: {  	[dreg:$0x3] =	wrdreg s6  }
0xab: {  	[dreg:$0x4] =	wrdreg $0xC0  }
0xac: {  	_ =	task [dreg:s8], $0x5FFFF  }
0xad: {  	[dreg:$0x1] =	wrdreg $0xFFFFFFFF  }
0xae: {  	[dreg:$0x0] =	wrdreg $0x60  }
0xaf: {  	[dreg:$0x2] =	wrdreg s2  }
0xb0: {  	[dreg:$0x3] =	wrdreg s24  }
0xb1: {  	[dreg:$0x4] =	wrdreg s18  }
0xb2: {  	[dreg:$0x5] =	wrdreg $0x9  }
0xb3: {  	_ =	task.clear_ibuf [dreg:s8], $0x6FFFF;
	_ =	strace $0x90000046  }
0xb4: {  	s29 =	simm.s32 $0x9;
	_ =	strace $0x80000048  }
0xb5: {  	_ =	swait.ge [sflag:s29], $0x1  }
0xb6: {  	[sflag:s29] =	ssyncadd.s32 $0xFFFFFFFF  }
0xb7: {  	_ =	strace $0x90000048  }
0xb8: {  	_ =	sfence  }
0xb9: {  	s30 =	sld [smem:$0x0];
	_ =	sdelay $0x2  }
0xba: {  	s31 =	sshll.u32 s1, $0xD;
	s1 =	sshrl.u32 s1, $0x2  }
0xbb: {  	s3 =	sand.u32 $0x4000, s31;
	s1 =	sadd.s32 s1, s30  }
0xbc: {  	s0 =	sor.u32 s3, s0;
	s1 =	sshll.u32 s1, $0x11  }
0xbd: {  	s0 =	sor.u32 s1, s0  }
0xbe: {  	s0 =	sadd.s32 $0x8F2B, s0  }
0xbf: {  	[sflag:s0] =	ssyncadd.remote.s32 $0x1  }
0xc0: {  	_ =	sfence.sel $0xFFFF  }
0xc1: {  	[dreg:$0x0] =	wrdreg $0xFFFFFFFF;
	(pc) =	sbr.abs _section_cstart, $3  }
0xc2: {  	[dreg:$0x1] =	wrdreg $0xFFFFFFFF  }
0xc3: {  	_ =	task.clear_ibuf [dreg:s8], $0x2FFFF;
	_ =	strace $0x9FFFFFFF  }
0xc4: {  	(tm) =	ssettm $0x7FFFFFFF  }
0xc5: {  	_ =	shalt  }
tec
execute0_lowered:
.L_overlay_start_1:
0x0: {  	(tag) =	ssettag $0x1  }
0x1: {  	s7 =	rddreg [dreg:$0x0]  }
0x2: {  	s0 =	rddreg [dreg:$0x1];
	s1 =	srdreg.scid  }
0x3: {  	s2 =	stileid.u32;
	s3 =	rddreg [dreg:$0x2]  }
0x4: {  	s4 =	simm.s32 $0x0;
	s14 =	simm.s32 $0x13480;
	s15 =	simm.s32 $0x13C80  }
0x5: {  	s29 =	simm.s32 $0x14C80;
	s30 =	simm.s32 $0x15480;
	s31 =	simm.s32 $0x15C80  }
0x6: {  	s9 =	simm.s32 $0x17C80;
	[smem:$0x7FF] =	sst s4;
	s8 =	sadd.s32 $0x1200, s0  }
0x7: {  	s20 =	sadd.s32 $0x100, s7;
	_ =	strace $0x80000047;
	[dreg:$0x4] =	wrdreg s8  }
0x8: {  	s10 =	simm.s32 $0x5;
	s21 =	sadd.s32 $0x200, s7;
	[dreg:$0x8] =	wrdreg s20  }
0x9: {  	s1 =	sand.u32 $0x1, s1;
	s22 =	sadd.s32 $0x300, s7;
	[dreg:$0x9] =	wrdreg s21  }
0xa: {  	s2 =	sshll.u32 s2, $0x1;
	s23 =	sadd.s32 $0x400, s7;
	[dreg:$0xa] =	wrdreg s22  }
0xb: {  	s24 =	sadd.s32 $0x500, s7;
	s25 =	sadd.s32 $0x600, s7;
	[dreg:$0xb] =	wrdreg s23  }
0xc: {  	s26 =	sadd.s32 $0x700, s7;
	s16 =	sadd.s32 $0x100, s3;
	[dreg:$0xc] =	wrdreg s24  }
0xd: {  	s17 =	sadd.s32 $0x200, s3;
	s2 =	sor.u32 s1, s2;
	[dreg:$0xd] =	wrdreg s25  }
0xe: {  	s1 =	ssub.s32 $0x2, s1;
	[dreg:$0xe] =	wrdreg s26;
	s20 =	sadd.s32 $0x500, s3  }
0xf: {  	s21 =	sadd.s32 $0x600, s3;
	s22 =	sadd.s32 $0x700, s3;
	s8 =	simm.s32 $0x10480  }
0x10: {  	s23 =	simm.s32 $0x14480;
	s25 =	simm.s32 $0x16C80;
	s5 =	sshll.u32 s2, $0x6  }
0x11: {  	s6 =	sshrl.u32 s1, $0x1;
	s2 =	sshll.u32 s2, $0x1;
	s5 =	sadd.s32 s5, s0  }
.Ltmp0:
0x12: {  	s1 =	ssub.s32 s1, s6;
	s0 =	sadd.s32 s0, s2;
	(pc) =	sbr.rel .LBB2_1-.Ltmp0, $4  }
0x13: {  	s2 =	simm.s32 $0x16480;
	[dreg:$0x5] =	wrdreg s0;
	s18 =	sadd.s32 $0xA00, s5  }
0x14: {  	v2 =	vlaneseq.u32;
	s19 =	sadd.s32 $0x200, s5;
	s28 =	smax.u32 s1, $0x1;
	[dreg:$0x6] =	wrdreg s18  }
0x15: {  	vm0 =	vmmov $0xffff;
	v1 =	vshrl.u32 v2, $0x3;
	s1 =	simm.s32 $0x17480;
	s5 =	simm.s32 $0x0;
	[dreg:$0x7] =	wrdreg s19  }
0x16: {  	v0 =	vand.u32 $0x7, v2;
	v2 =	vor.u32 $0x8, v2;
	v1 =	vmul.u32 $0x8, v1;
	s18 =	sadd.s32 $0x300, s3;
	s19 =	sadd.s32 $0x400, s3;
	[dreg:$0xf] =	wrdreg s28  }
.LBB2_17:
0x17: {  	[sflag:s10] =	ssyncadd.s32 $0xFFFF8000;
	s5 =	rddreg [dreg:$0x10]  }
.LBB2_18:
0x18: {  	s5 =	sadd.s32 $0x1, s5;
	s0 =	rddreg [dreg:$0xf]  }
0x19: {  	p0 =	sne.s32 s5, s0  }
.Ltmp1:
0x1a: {  	_ = 	snop;
	(pc) =	sbr.rel @!p0 .LBB2_19-.Ltmp1, $1  }
0x1b: {  	_ =	sdelay $0x3  }
.LBB2_1:
0x1c: {  	[dreg:$0x10] =	wrdreg s5  }
0x1d: {  	s11 =	rddreg [dreg:$0x5];
	s0 =	simm.s32 $0x400;
	s12 =	simm.s32 $0x6  }
0x1e: {  	[tilespmem:s0], [sflag:$0x6] =	stream.linear.gather [hbm4b:s11+s4], $0x10, $0x38;
	[tilespmem:$0x18480] =	vst v63  }
0x1f: {  	_ =	swait.ge [sflag:s12], $0x10  }
0x20: {  	[sflag:s12] =	ssyncset.done $0x0  }
0x21: {  	s13 =	rddreg [dreg:$0x6];
	[sflag:s12] =	ssyncadd.s32 $0xFFFFFFF0  }
0x22: {  	[tilespmem:s4], [sflag:$0x6] =	stream.linear.gather [hbm4b:s13+s4], $0x200, $0x38;
	[tilespmem:$0x18480] =	vst v63  }
0x23: {  	_ =	swait.ge [sflag:s12], $0x200  }
0x24: {  	[sflag:s12] =	ssyncset.done $0x0  }
0x25: {  	s26 =	simm.s32 $0x200;
	s24 =	rddreg [dreg:$0x7];
	[sflag:s12] =	ssyncadd.s32 $0xFFFFFE00  }
0x26: {  	[tilespmem:s26], [sflag:$0x6] =	stream.linear.gather [hbm4b:s24+s4], $0x200, $0x38;
	[tilespmem:$0x18480] =	vst v63  }
0x27: {  	_ =	swait.ge [sflag:s12], $0x200  }
0x28: {  	[sflag:s12] =	ssyncset.done $0x0  }
0x29: {  	s28 =	rddreg [dreg:$0x4];
	[sflag:s12] =	ssyncadd.s32 $0xFFFFFE00  }
0x2a: {  	[tilespmem:s8], [sflag:$0x6] =	stream.linear.gather [hbm4b:s28+s4], $0x8000, $0x38;
	[tilespmem:$0x18480] =	vst v63  }
0x2b: {  	_ =	swait.ge [sflag:s12], $0x8000  }
0x2c: {  	[sflag:s12] =	ssyncset.done $0x0  }
0x2d: {  	[sflag:s12] =	ssyncadd.s32 $0xFFFF8000  }
0x2e: {  	v3 =	vld [tilespmem:$0x400];
	_ =	sdelay $0x4  }
0x2f: {  	(v2sf) =	vpush v3, $0x0;
	_ =	sdelay $0x4  }
0x30: {  	(v2sf) =	vpush v3, $0x1;
	_ =	sdelay $0x9  }
0x31: {  	s26 =	spop (v2sf)  }
0x32: {  	p0 =	slt.s32 s26, $0x1  }
.Ltmp2:
0x33: {  	_ = 	snop;
	(pc) =	sbr.rel @p0 .LBB2_3-.Ltmp2, $3  }
0x34: {  	_ =	sdelay $0x1  }
0x35: {  	s11 =	spop (v2sf)  }
0x36: {  	[dreg:$0x11] =	wrdreg s11  }
0x37: {  	v3 =	vld [tilespmem:$0x0];
	_ =	sdelay $0x4  }
0x38: {  	v4 =	vshll.u32 v3, $0x4  }
0x39: {  	v3 =	vand.u32 $0x7, v3;
	v4 =	vand.u32 $0xFFFFFF80, v4  }
0x3a: {  	v3 =	vor.u32 v3, v4  }
0x3b: {  	v4 =	vperm.xlane v3, v0;
	_ =	sdelay $0x1  }
0x3c: {  	v4 =	vadd.s32 v1, v4;
	_ =	sdelay $0x3  }
0x3d: {  	s11 =	rddreg [dreg:$0x0];
	s0 =	simm.s32 $0x480  }
0x3e: {  	[tilespmem:s0], [sflag:$0x1] =	stream.indirect_vreg.gather [hbm4b:s11+s4], $0x80, v4, vm0, $0xb8;
	[tilespmem:$0x18480] =	vst v63  }
0x3f: {  	s14 =	rddreg [dreg:$0x8];
	s7 =	simm.s32 $0xC80  }
0x40: {  	[tilespmem:s7], [sflag:$0x1] =	stream.indirect_vreg.gather [hbm4b:s14+s4], $0x80, v4, vm0, $0xb8;
	[tilespmem:$0x18480] =	vst v63  }
0x41: {  	s5 =	simm.s32 $0x1480;
	s0 =	rddreg [dreg:$0x9]  }
0x42: {  	[tilespmem:s5], [sflag:$0x1] =	stream.indirect_vreg.gather [hbm4b:s0+s4], $0x80, v4, vm0, $0xb8;
	[tilespmem:$0x18480] =	vst v63  }
0x43: {  	s15 =	rddreg [dreg:$0xa];
	s8 =	simm.s32 $0x1C80  }
0x44: {  	[tilespmem:s8], [sflag:$0x1] =	stream.indirect_vreg.gather [hbm4b:s15+s4], $0x80, v4, vm0, $0xb8;
	[tilespmem:$0x18480] =	vst v63  }
0x45: {  	s24 =	rddreg [dreg:$0xb];
	s12 =	simm.s32 $0x2480  }
0x46: {  	[tilespmem:s12], [sflag:$0x1] =	stream.indirect_vreg.gather [hbm4b:s24+s4], $0x80, v4, vm0, $0xb8;
	[tilespmem:$0x18480] =	vst v63  }
0x47: {  	s6 =	simm.s32 $0x2C80;
	v3 =	vperm.xlane v3, v2;
	s5 =	rddreg [dreg:$0xc]  }
0x48: {  	[tilespmem:s6], [sflag:$0x1] =	stream.indirect_vreg.gather [hbm4b:s5+s4], $0x80, v4, vm0, $0xb8;
	[tilespmem:$0x18480] =	vst v63  }
0x49: {  	v3 =	vadd.s32 v1, v3;
	s7 =	simm.s32 $0x3480;
	s6 =	rddreg [dreg:$0xd]  }
0x4a: {  	[tilespmem:s7], [sflag:$0x1] =	stream.indirect_vreg.gather [hbm4b:s6+s4], $0x80, v4, vm0, $0xb8;
	[tilespmem:$0x18480] =	vst v63  }
0x4b: {  	s8 =	simm.s32 $0x3C80;
	s7 =	rddreg [dreg:$0xe]  }
0x4c: {  	[tilespmem:s8], [sflag:$0x1] =	stream.indirect_vreg.gather [hbm4b:s7+s4], $0x80, v4, vm0, $0xb8;
	[tilespmem:$0x18480] =	vst v63  }
0x4d: {  	s13 =	simm.s32 $0x4480  }
0x4e: {  	[tilespmem:s13], [sflag:$0x1] =	stream.indirect_vreg.gather [hbm4b:s11+s4], $0x80, v3, vm0, $0xb8;
	[tilespmem:$0x18480] =	vst v63  }
0x4f: {  	s28 =	simm.s32 $0x4C80  }
0x50: {  	[tilespmem:s28], [sflag:$0x1] =	stream.indirect_vreg.gather [hbm4b:s14+s4], $0x80, v3, vm0, $0xb8;
	[tilespmem:$0x18480] =	vst v63  }
0x51: {  	s12 =	simm.s32 $0x5480  }
0x52: {  	[tilespmem:s12], [sflag:$0x1] =	stream.indirect_vreg.gather [hbm4b:s0+s4], $0x80, v3, vm0, $0xb8;
	[tilespmem:$0x18480] =	vst v63  }
0x53: {  	s13 =	simm.s32 $0x5C80  }
0x54: {  	[tilespmem:s13], [sflag:$0x1] =	stream.indirect_vreg.gather [hbm4b:s15+s4], $0x80, v3, vm0, $0xb8;
	[tilespmem:$0x18480] =	vst v63  }
0x55: {  	s28 =	simm.s32 $0x6480  }
0x56: {  	[tilespmem:s28], [sflag:$0x1] =	stream.indirect_vreg.gather [hbm4b:s24+s4], $0x80, v3, vm0, $0xb8;
	[tilespmem:$0x18480] =	vst v63  }
0x57: {  	s12 =	simm.s32 $0x6C80  }
0x58: {  	[tilespmem:s12], [sflag:$0x1] =	stream.indirect_vreg.gather [hbm4b:s5+s4], $0x80, v3, vm0, $0xb8;
	[tilespmem:$0x18480] =	vst v63  }
0x59: {  	s13 =	simm.s32 $0x7480  }
0x5a: {  	[tilespmem:s13], [sflag:$0x1] =	stream.indirect_vreg.gather [hbm4b:s6+s4], $0x80, v3, vm0, $0xb8;
	[tilespmem:$0x18480] =	vst v63  }
0x5b: {  	p0 =	seq.s32 s26, $0x1;
	s28 =	simm.s32 $0x7C80  }
0x5c: {  	[tilespmem:s28], [sflag:$0x1] =	stream.indirect_vreg.gather [hbm4b:s7+s4], $0x80, v3, vm0, $0xb8;
	[tilespmem:$0x18480] =	vst v63  }
0x5d: {  	v3 =	vld @!p0 [tilespmem:$0x10];
	_ =	sdelay $0x4  }
0x5e: {  	v4 =	vshll.u32 @!p0 v3, $0x4  }
0x5f: {  	v5 =	vlaneseq.u32 @!p0;
	v3 =	vand.u32 @!p0 $0x7, v3;
	v4 =	vand.u32 @!p0 $0xFFFFFF80, v4  }
0x60: {  	v6 =	vshrl.u32 @!p0 v5, $0x3;
	v3 =	vor.u32 @!p0 v3, v4;
	v4 =	vand.u32 @!p0 $0x7, v5  }
0x61: {  	v6 =	vmul.u32 @!p0 $0x8, v6;
	v4 =	vperm.xlane @!p0 v3, v4;
	_ =	sdelay $0x1  }
0x62: {  	v4 =	vadd.s32 @!p0 v6, v4;
	_ =	sdelay $0x3  }
0x63: {  	vm1 =	vmmov @!p0 $0xffff;
	s12 =	simm.s32 @!p0 $0x0;
	s13 =	simm.s32 @!p0 $0x8480  }
0x64: {  	[tilespmem:s13], [sflag:$0x2] =	stream.indirect_vreg.gather @!p0 [hbm4b:s11+s12], $0x80, v4, vm1, $0xb8;
	[tilespmem:$0x18480] =	vst v63  }
0x65: {  	s13 =	simm.s32 @!p0 $0x8C80  }
0x66: {  	[tilespmem:s13], [sflag:$0x2] =	stream.indirect_vreg.gather @!p0 [hbm4b:s14+s12], $0x80, v4, vm1, $0xb8;
	[tilespmem:$0x18480] =	vst v63  }
0x67: {  	s13 =	simm.s32 @!p0 $0x9480  }
0x68: {  	[tilespmem:s13], [sflag:$0x2] =	stream.indirect_vreg.gather @!p0 [hbm4b:s0+s12], $0x80, v4, vm1, $0xb8;
	[tilespmem:$0x18480] =	vst v63  }
0x69: {  	s13 =	simm.s32 @!p0 $0x9C80  }
0x6a: {  	[tilespmem:s13], [sflag:$0x2] =	stream.indirect_vreg.gather @!p0 [hbm4b:s15+s12], $0x80, v4, vm1, $0xb8;
	[tilespmem:$0x18480] =	vst v63  }
0x6b: {  	s13 =	simm.s32 @!p0 $0xA480  }
0x6c: {  	v5 =	vor.u32 @!p0 $0x8, v5;
	[tilespmem:s13], [sflag:$0x2] =	stream.indirect_vreg.gather @!p0 [hbm4b:s24+s12], $0x80, v4, vm1, $0xb8;
	[tilespmem:$0x18480] =	vst v63  }
0x6d: {  	v3 =	vperm.xlane @!p0 v3, v5;
	s13 =	simm.s32 @!p0 $0xAC80  }
0x6e: {  	[tilespmem:s13], [sflag:$0x2] =	stream.indirect_vreg.gather @!p0 [hbm4b:s5+s12], $0x80, v4, vm1, $0xb8;
	[tilespmem:$0x18480] =	vst v63  }
0x6f: {  	v3 =	vadd.s32 @!p0 v6, v3;
	s13 =	simm.s32 @!p0 $0xB480  }
0x70: {  	[tilespmem:s13], [sflag:$0x2] =	stream.indirect_vreg.gather @!p0 [hbm4b:s6+s12], $0x80, v4, vm1, $0xb8;
	[tilespmem:$0x18480] =	vst v63  }
0x71: {  	s13 =	simm.s32 @!p0 $0xBC80  }
0x72: {  	[tilespmem:s13], [sflag:$0x2] =	stream.indirect_vreg.gather @!p0 [hbm4b:s7+s12], $0x80, v4, vm1, $0xb8;
	[tilespmem:$0x18480] =	vst v63  }
0x73: {  	s13 =	simm.s32 @!p0 $0xC480  }
0x74: {  	[tilespmem:s13], [sflag:$0x2] =	stream.indirect_vreg.gather @!p0 [hbm4b:s11+s12], $0x80, v3, vm1, $0xb8;
	[tilespmem:$0x18480] =	vst v63  }
0x75: {  	s13 =	simm.s32 @!p0 $0xCC80  }
0x76: {  	[tilespmem:s13], [sflag:$0x2] =	stream.indirect_vreg.gather @!p0 [hbm4b:s14+s12], $0x80, v3, vm1, $0xb8;
	[tilespmem:$0x18480] =	vst v63  }
0x77: {  	s13 =	simm.s32 @!p0 $0xD480  }
0x78: {  	[tilespmem:s13], [sflag:$0x2] =	stream.indirect_vreg.gather @!p0 [hbm4b:s0+s12], $0x80, v3, vm1, $0xb8;
	[tilespmem:$0x18480] =	vst v63  }
0x79: {  	s13 =	simm.s32 @!p0 $0xDC80  }
0x7a: {  	[tilespmem:s13], [sflag:$0x2] =	stream.indirect_vreg.gather @!p0 [hbm4b:s15+s12], $0x80, v3, vm1, $0xb8;
	[tilespmem:$0x18480] =	vst v63  }
0x7b: {  	s13 =	simm.s32 @!p0 $0xE480  }
0x7c: {  	[tilespmem:s13], [sflag:$0x2] =	stream.indirect_vreg.gather @!p0 [hbm4b:s24+s12], $0x80, v3, vm1, $0xb8;
	[tilespmem:$0x18480] =	vst v63  }
0x7d: {  	s13 =	simm.s32 @!p0 $0xEC80  }
0x7e: {  	[tilespmem:s13], [sflag:$0x2] =	stream.indirect_vreg.gather @!p0 [hbm4b:s5+s12], $0x80, v3, vm1, $0xb8;
	[tilespmem:$0x18480] =	vst v63  }
0x7f: {  	s8 =	simm.s32 $0x10480;
	s11 =	rddreg [dreg:$0x11];
	s13 =	simm.s32 @!p0 $0xF480  }
0x80: {  	[tilespmem:s13], [sflag:$0x2] =	stream.indirect_vreg.gather @!p0 [hbm4b:s6+s12], $0x80, v3, vm1, $0xb8;
	[tilespmem:$0x18480] =	vst v63  }
0x81: {  	s14 =	simm.s32 $0x13480;
	s15 =	simm.s32 $0x13C80;
	s13 =	simm.s32 @!p0 $0xFC80  }
0x82: {  	[tilespmem:s13], [sflag:$0x2] =	stream.indirect_vreg.gather @!p0 [hbm4b:s7+s12], $0x80, v3, vm1, $0xb8;
	[tilespmem:$0x18480] =	vst v63  }
.LBB2_3:
0x83: {  	p0 =	slt.s32 s11, $0x1  }
.Ltmp3:
0x84: {  	_ = 	snop;
	(pc) =	sbr.rel @p0 .LBB2_7-.Ltmp3, $3  }
0x85: {  	_ =	sdelay $0x1  }
0x86: {  	s13 =	simm.s32 $0x200;
	s0 =	simm.s32 $0x10C80;
	s5 =	simm.s32 $0x11480  }
0x87: {  	s6 =	simm.s32 $0x11C80;
	s7 =	simm.s32 $0x12480;
	s11 =	simm.s32 $0x12C80  }
0x88: {  	v3 =	vld [tilespmem:s13+$0x0];
	_ =	sdelay $0x4  }
0x89: {  	v4 =	vshll.u32 v3, $0x4  }
0x8a: {  	v3 =	vand.u32 $0x7, v3;
	v4 =	vand.u32 $0xFFFFFF80, v4  }
0x8b: {  	v3 =	vor.u32 v3, v4  }
0x8c: {  	v4 =	vperm.xlane v3, v0;
	_ =	sdelay $0x1  }
0x8d: {  	v4 =	vadd.s32 v1, v4;
	_ =	sdelay $0x4  }
0x8e: {  	[hbm4b:s3+s4] =	stream.indirect_vreg.scatter [tilespmem:s8], [sflag:$0x5], $0x80, v4, vm0, $0xb8;
	[tilespmem:$0x18480] =	vst v63  }
0x8f: {  	_ = 	snop  }
0x90: {  	[hbm4b:s16+s4] =	stream.indirect_vreg.scatter [tilespmem:s0], [sflag:$0x5], $0x80, v4, vm0, $0xb8;
	[tilespmem:$0x18480] =	vst v63  }
0x91: {  	_ = 	snop  }
0x92: {  	[hbm4b:s17+s4] =	stream.indirect_vreg.scatter [tilespmem:s5], [sflag:$0x5], $0x80, v4, vm0, $0xb8;
	[tilespmem:$0x18480] =	vst v63  }
0x93: {  	_ = 	snop  }
0x94: {  	[hbm4b:s18+s4] =	stream.indirect_vreg.scatter [tilespmem:s6], [sflag:$0x5], $0x80, v4, vm0, $0xb8;
	[tilespmem:$0x18480] =	vst v63  }
0x95: {  	_ = 	snop  }
0x96: {  	[hbm4b:s19+s4] =	stream.indirect_vreg.scatter [tilespmem:s7], [sflag:$0x5], $0x80, v4, vm0, $0xb8;
	[tilespmem:$0x18480] =	vst v63  }
0x97: {  	v3 =	vperm.xlane v3, v2  }
0x98: {  	[hbm4b:s20+s4] =	stream.indirect_vreg.scatter [tilespmem:s11], [sflag:$0x5], $0x80, v4, vm0, $0xb8;
	[tilespmem:$0x18480] =	vst v63  }
0x99: {  	v3 =	vadd.s32 v1, v3  }
0x9a: {  	[hbm4b:s21+s4] =	stream.indirect_vreg.scatter [tilespmem:s14], [sflag:$0x5], $0x80, v4, vm0, $0xb8;
	[tilespmem:$0x18480] =	vst v63  }
0x9b: {  	_ = 	snop  }
0x9c: {  	[hbm4b:s22+s4] =	stream.indirect_vreg.scatter [tilespmem:s15], [sflag:$0x5], $0x80, v4, vm0, $0xb8;
	[tilespmem:$0x18480] =	vst v63  }
0x9d: {  	_ = 	snop  }
0x9e: {  	[hbm4b:s3+s4] =	stream.indirect_vreg.scatter [tilespmem:s23], [sflag:$0x5], $0x80, v3, vm0, $0xb8;
	[tilespmem:$0x18480] =	vst v63  }
0x9f: {  	_ = 	snop  }
0xa0: {  	[hbm4b:s16+s4] =	stream.indirect_vreg.scatter [tilespmem:s29], [sflag:$0x5], $0x80, v3, vm0, $0xb8;
	[tilespmem:$0x18480] =	vst v63  }
0xa1: {  	_ = 	snop  }
0xa2: {  	[hbm4b:s17+s4] =	stream.indirect_vreg.scatter [tilespmem:s30], [sflag:$0x5], $0x80, v3, vm0, $0xb8;
	[tilespmem:$0x18480] =	vst v63  }
0xa3: {  	s12 =	rddreg [dreg:$0x11]  }
0xa4: {  	[hbm4b:s18+s4] =	stream.indirect_vreg.scatter [tilespmem:s31], [sflag:$0x5], $0x80, v3, vm0, $0xb8;
	[tilespmem:$0x18480] =	vst v63  }
0xa5: {  	p0 =	sne.s32 s12, $0x1  }
0xa6: {  	[hbm4b:s19+s4] =	stream.indirect_vreg.scatter [tilespmem:s2], [sflag:$0x5], $0x80, v3, vm0, $0xb8;
	[tilespmem:$0x18480] =	vst v63  }
.Ltmp4:
0xa7: {  	_ = 	snop;
	(pc) =	sbr.rel @!p0 .LBB2_6-.Ltmp4, $4  }
0xa8: {  	_ = 	snop  }
0xa9: {  	[hbm4b:s20+s4] =	stream.indirect_vreg.scatter [tilespmem:s25], [sflag:$0x5], $0x80, v3, vm0, $0xb8;
	[tilespmem:$0x18480] =	vst v63  }
0xaa: {  	s13 =	sadd.s32 $0x10, s13;
	s12 =	sadd.s32 $0xFFFFFFFF, s12  }
0xab: {  	[hbm4b:s21+s4] =	stream.indirect_vreg.scatter [tilespmem:s1], [sflag:$0x5], $0x80, v3, vm0, $0xb8;
	[tilespmem:$0x18480] =	vst v63  }
.LBB2_5:
0xac: {  	[hbm4b:s22+s4] =	stream.indirect_vreg.scatter [tilespmem:s9], [sflag:$0x5], $0x80, v3, vm0, $0xb8;
	[tilespmem:$0x18480] =	vst v63  }
0xad: {  	p0 =	sne.s32 s12, $0x1;
	s12 =	sadd.s32 $0xFFFFFFFF, s12;
	v3 =	vld [tilespmem:s13+$0x0];
	_ =	sdelay $0x4  }
0xae: {  	v4 =	vshll.u32 v3, $0x4  }
0xaf: {  	v3 =	vand.u32 $0x7, v3;
	v4 =	vand.u32 $0xFFFFFF80, v4  }
0xb0: {  	v3 =	vor.u32 v3, v4  }
0xb1: {  	v4 =	vperm.xlane v3, v0;
	v3 =	vperm.xlane v3, v2;
	_ =	sdelay $0x1  }
0xb2: {  	v4 =	vadd.s32 v1, v4;
	_ =	sdelay $0x4  }
0xb3: {  	[hbm4b:s3+s4] =	stream.indirect_vreg.scatter [tilespmem:s8], [sflag:$0x5], $0x80, v4, vm0, $0xb8;
	[tilespmem:$0x18480] =	vst v63  }
0xb4: {  	_ = 	snop  }
0xb5: {  	[hbm4b:s16+s4] =	stream.indirect_vreg.scatter [tilespmem:s0], [sflag:$0x5], $0x80, v4, vm0, $0xb8;
	[tilespmem:$0x18480] =	vst v63  }
0xb6: {  	_ = 	snop  }
0xb7: {  	[hbm4b:s17+s4] =	stream.indirect_vreg.scatter [tilespmem:s5], [sflag:$0x5], $0x80, v4, vm0, $0xb8;
	[tilespmem:$0x18480] =	vst v63  }
0xb8: {  	_ = 	snop  }
0xb9: {  	[hbm4b:s18+s4] =	stream.indirect_vreg.scatter [tilespmem:s6], [sflag:$0x5], $0x80, v4, vm0, $0xb8;
	[tilespmem:$0x18480] =	vst v63  }
0xba: {  	_ = 	snop  }
0xbb: {  	[hbm4b:s19+s4] =	stream.indirect_vreg.scatter [tilespmem:s7], [sflag:$0x5], $0x80, v4, vm0, $0xb8;
	[tilespmem:$0x18480] =	vst v63  }
0xbc: {  	_ = 	snop  }
0xbd: {  	[hbm4b:s20+s4] =	stream.indirect_vreg.scatter [tilespmem:s11], [sflag:$0x5], $0x80, v4, vm0, $0xb8;
	[tilespmem:$0x18480] =	vst v63  }
0xbe: {  	v3 =	vadd.s32 v1, v3  }
0xbf: {  	[hbm4b:s21+s4] =	stream.indirect_vreg.scatter [tilespmem:s14], [sflag:$0x5], $0x80, v4, vm0, $0xb8;
	[tilespmem:$0x18480] =	vst v63  }
0xc0: {  	_ = 	snop  }
0xc1: {  	[hbm4b:s22+s4] =	stream.indirect_vreg.scatter [tilespmem:s15], [sflag:$0x5], $0x80, v4, vm0, $0xb8;
	[tilespmem:$0x18480] =	vst v63  }
0xc2: {  	_ = 	snop  }
0xc3: {  	[hbm4b:s3+s4] =	stream.indirect_vreg.scatter [tilespmem:s23], [sflag:$0x5], $0x80, v3, vm0, $0xb8;
	[tilespmem:$0x18480] =	vst v63  }
0xc4: {  	_ = 	snop  }
0xc5: {  	[hbm4b:s16+s4] =	stream.indirect_vreg.scatter [tilespmem:s29], [sflag:$0x5], $0x80, v3, vm0, $0xb8;
	[tilespmem:$0x18480] =	vst v63  }
0xc6: {  	_ = 	snop  }
0xc7: {  	[hbm4b:s17+s4] =	stream.indirect_vreg.scatter [tilespmem:s30], [sflag:$0x5], $0x80, v3, vm0, $0xb8;
	[tilespmem:$0x18480] =	vst v63  }
0xc8: {  	_ = 	snop  }
0xc9: {  	[hbm4b:s18+s4] =	stream.indirect_vreg.scatter [tilespmem:s31], [sflag:$0x5], $0x80, v3, vm0, $0xb8;
	[tilespmem:$0x18480] =	vst v63  }
0xca: {  	_ = 	snop  }
0xcb: {  	[hbm4b:s19+s4] =	stream.indirect_vreg.scatter [tilespmem:s2], [sflag:$0x5], $0x80, v3, vm0, $0xb8;
	[tilespmem:$0x18480] =	vst v63  }
.Ltmp5:
0xcc: {  	(pc) =	sbr.rel @p0 .LBB2_5-.Ltmp5, $4  }
0xcd: {  	[hbm4b:s20+s4] =	stream.indirect_vreg.scatter [tilespmem:s25], [sflag:$0x5], $0x80, v3, vm0, $0xb8;
	[tilespmem:$0x18480] =	vst v63  }
0xce: {  	_ = 	snop  }
0xcf: {  	[hbm4b:s21+s4] =	stream.indirect_vreg.scatter [tilespmem:s1], [sflag:$0x5], $0x80, v3, vm0, $0xb8;
	[tilespmem:$0x18480] =	vst v63  }
0xd0: {  	s13 =	sadd.s32 $0x10, s13  }
.LBB2_6:
0xd1: {  	_ =	sdelay $0x3  }
0xd2: {  	[hbm4b:s22+s4] =	stream.indirect_vreg.scatter [tilespmem:s9], [sflag:$0x5], $0x80, v3, vm0, $0xb8;
	[tilespmem:$0x18480] =	vst v63  }
.LBB2_7:
0xd3: {  	s12 =	sadd.s32 $0x1, s26;
	p0 =	slt.u32 s26, $0x7FFFFFFF;
	s13 =	simm.s32 $0x1  }
0xd4: {  	s13 =	simm.s32 @!p0 $0x0;
	s14 =	sshra.s32 s12, $0x1F  }
0xd5: {  	s24 =	sand.u32 $0x1, s12;
	s13 =	sadd.s32 s13, s14  }
0xd6: {  	p1 =	seq.s32 s24, $0x1;
	p6 =	sne.s32 s13, $0x1  }
0xd7: {  	s28 =	sshrl.u32 s12, $0x1F;
	p0 =	por !p6, !p1  }
0xd8: {  	s12 =	sadd.s32 s28, s12;
	s13 =	simm.s32 $0x1;
	p0 =	por !p0, !p0  }
0xd9: {  	s12 =	sshra.s32 s12, $0x1;
	s13 =	simm.s32 @!p0 $0x0  }
0xda: {  	s12 =	ssub.s32 s12, s13  }
0xdb: {  	p0 =	sgt.s32 s12, $0x0  }
.Ltmp6:
0xdc: {  	_ = 	snop;
	(pc) =	sbr.rel @!p0 .LBB2_14-.Ltmp6, $1  }
0xdd: {  	_ =	sdelay $0x3  }
.Ltmp7:
0xde: {  	(pc) =	sbr.rel .LBB2_9-.Ltmp7, $2  }
0xdf: {  	_ =	sdelay $0x2  }
0xe0: {  	s13 =	simm.s32 $0x3;
	s14 =	simm.s32 $0x20;
	[dreg:$0x12] =	wrdreg s26  }
.LBB2_13:
0xe1: {  	s12 =	sadd.s32 $0xFFFFFFFF, s12  }
0xe2: {  	p0 =	seq.s32 s12, $0x0  }
.Ltmp8:
0xe3: {  	_ = 	snop;
	(pc) =	sbr.rel @p0 .LBB2_14-.Ltmp8, $2  }
0xe4: {  	_ =	sdelay $0x2  }
0xe5: {  	s13 =	sadd.s32 $0x2, s13;
	s14 =	sadd.s32 $0x20, s14  }
.LBB2_9:
0xe6: {  	s15 =	sadd.s32 $0xFFFFFFFD, s13  }
0xe7: {  	p0 =	sge.s32 s15, s26  }
.Ltmp9:
0xe8: {  	_ = 	snop;
	(pc) =	sbr.rel @p0 .LBB2_11-.Ltmp9, $1  }
0xe9: {  	_ =	sdelay $0x3  }
0xea: {  	v3 =	vld [tilespmem:s14+$0xFFFFFFE0];
	_ =	sdelay $0x4  }
0xeb: {  	v4 =	vshll.u32 v3, $0x4  }
0xec: {  	v3 =	vand.u32 $0x7, v3;
	v4 =	vand.u32 $0xFFFFFF80, v4  }
0xed: {  	v3 =	vor.u32 v3, v4  }
0xee: {  	v4 =	vperm.xlane v3, v0;
	_ =	sdelay $0x1  }
0xef: {  	v4 =	vadd.s32 v1, v4  }
0xf0: {  	s0 =	simm.s32 $0x1  }
0xf1: {  	_ =	swait.ge [sflag:s0], $0x8000  }
0xf2: {  	[sflag:s0] =	ssyncset.done $0x0  }
0xf3: {  	s28 =	simm.s32 $0x480;
	[sflag:s0] =	ssyncadd.s32 $0xFFFF8000  }
0xf4: {  	[hbm4b:s3+s4] =	stream.indirect_vreg.scatter [tilespmem:s28], [sflag:$0x3], $0x80, v4, vm0, $0xb8;
	[tilespmem:$0x18480] =	vst v63  }
0xf5: {  	s5 =	simm.s32 $0xC80  }
0xf6: {  	[hbm4b:s16+s4] =	stream.indirect_vreg.scatter [tilespmem:s5], [sflag:$0x3], $0x80, v4, vm0, $0xb8;
	[tilespmem:$0x18480] =	vst v63  }
0xf7: {  	s6 =	simm.s32 $0x1480  }
0xf8: {  	[hbm4b:s17+s4] =	stream.indirect_vreg.scatter [tilespmem:s6], [sflag:$0x3], $0x80, v4, vm0, $0xb8;
	[tilespmem:$0x18480] =	vst v63  }
0xf9: {  	s7 =	simm.s32 $0x1C80  }
0xfa: {  	[hbm4b:s18+s4] =	stream.indirect_vreg.scatter [tilespmem:s7], [sflag:$0x3], $0x80, v4, vm0, $0xb8;
	[tilespmem:$0x18480] =	vst v63  }
0xfb: {  	s8 =	simm.s32 $0x2480  }
0xfc: {  	[hbm4b:s19+s4] =	stream.indirect_vreg.scatter [tilespmem:s8], [sflag:$0x3], $0x80, v4, vm0, $0xb8;
	[tilespmem:$0x18480] =	vst v63  }
0xfd: {  	s11 =	simm.s32 $0x2C80;
	v3 =	vperm.xlane v3, v2  }
0xfe: {  	[hbm4b:s20+s4] =	stream.indirect_vreg.scatter [tilespmem:s11], [sflag:$0x3], $0x80, v4, vm0, $0xb8;
	[tilespmem:$0x18480] =	vst v63  }
0xff: {  	s15 =	simm.s32 $0x3480;
	v3 =	vadd.s32 v1, v3  }
0x100: {  	[hbm4b:s21+s4] =	stream.indirect_vreg.scatter [tilespmem:s15], [sflag:$0x3], $0x80, v4, vm0, $0xb8;
	[tilespmem:$0x18480] =	vst v63  }
0x101: {  	s24 =	simm.s32 $0x3C80  }
0x102: {  	[hbm4b:s22+s4] =	stream.indirect_vreg.scatter [tilespmem:s24], [sflag:$0x3], $0x80, v4, vm0, $0xb8;
	[tilespmem:$0x18480] =	vst v63  }
0x103: {  	s28 =	simm.s32 $0x4480  }
0x104: {  	[hbm4b:s3+s4] =	stream.indirect_vreg.scatter [tilespmem:s28], [sflag:$0x3], $0x80, v3, vm0, $0xb8;
	[tilespmem:$0x18480] =	vst v63  }
0x105: {  	s5 =	simm.s32 $0x4C80  }
0x106: {  	[hbm4b:s16+s4] =	stream.indirect_vreg.scatter [tilespmem:s5], [sflag:$0x3], $0x80, v3, vm0, $0xb8;
	[tilespmem:$0x18480] =	vst v63  }
0x107: {  	s6 =	simm.s32 $0x5480  }
0x108: {  	[hbm4b:s17+s4] =	stream.indirect_vreg.scatter [tilespmem:s6], [sflag:$0x3], $0x80, v3, vm0, $0xb8;
	[tilespmem:$0x18480] =	vst v63  }
0x109: {  	s7 =	simm.s32 $0x5C80  }
0x10a: {  	[hbm4b:s18+s4] =	stream.indirect_vreg.scatter [tilespmem:s7], [sflag:$0x3], $0x80, v3, vm0, $0xb8;
	[tilespmem:$0x18480] =	vst v63  }
0x10b: {  	s8 =	simm.s32 $0x6480  }
0x10c: {  	[hbm4b:s19+s4] =	stream.indirect_vreg.scatter [tilespmem:s8], [sflag:$0x3], $0x80, v3, vm0, $0xb8;
	[tilespmem:$0x18480] =	vst v63  }
0x10d: {  	s11 =	simm.s32 $0x6C80  }
0x10e: {  	[hbm4b:s20+s4] =	stream.indirect_vreg.scatter [tilespmem:s11], [sflag:$0x3], $0x80, v3, vm0, $0xb8;
	[tilespmem:$0x18480] =	vst v63  }
0x10f: {  	s15 =	simm.s32 $0x7480  }
0x110: {  	[hbm4b:s21+s4] =	stream.indirect_vreg.scatter [tilespmem:s15], [sflag:$0x3], $0x80, v3, vm0, $0xb8;
	[tilespmem:$0x18480] =	vst v63  }
0x111: {  	s24 =	simm.s32 $0x7C80;
	s28 =	simm.s32 $0x3  }
0x112: {  	[hbm4b:s22+s4] =	stream.indirect_vreg.scatter [tilespmem:s24], [sflag:$0x3], $0x80, v3, vm0, $0xb8;
	[tilespmem:$0x18480] =	vst v63  }
0x113: {  	_ =	swait.ge [sflag:s28], $0x8000  }
0x114: {  	s15 =	sadd.s32 $0xFFFFFFFF, s13;
	[sflag:s28] =	ssyncset.done $0x0  }
0x115: {  	p0 =	sge.s32 s15, s26;
	[sflag:s28] =	ssyncadd.s32 $0xFFFF8000  }
0x116: {  	v3 =	vld @!p0 [tilespmem:s14+$0x0];
	_ =	sdelay $0x4  }
0x117: {  	v4 =	vshll.u32 @!p0 v3, $0x4  }
0x118: {  	v5 =	vlaneseq.u32 @!p0;
	v3 =	vand.u32 @!p0 $0x7, v3;
	v4 =	vand.u32 @!p0 $0xFFFFFF80, v4  }
0x119: {  	v6 =	vshrl.u32 @!p0 v5, $0x3;
	v3 =	vor.u32 @!p0 v3, v4;
	v4 =	vand.u32 @!p0 $0x7, v5  }
0x11a: {  	v6 =	vmul.u32 @!p0 $0x8, v6;
	v4 =	vperm.xlane @!p0 v3, v4;
	_ =	sdelay $0x1  }
0x11b: {  	v4 =	vadd.s32 @!p0 v6, v4;
	_ =	sdelay $0x3  }
0x11c: {  	vm1 =	vmmov @!p0 $0xffff;
	s15 =	simm.s32 @!p0 $0x0;
	s11 =	simm.s32 @!p0 $0x480;
	s28 =	rddreg [dreg:$0x0]  }
0x11d: {  	[tilespmem:s11], [sflag:$0x1] =	stream.indirect_vreg.gather @!p0 [hbm4b:s28+s15], $0x80, v4, vm1, $0xb8;
	[tilespmem:$0x18480] =	vst v63  }
0x11e: {  	s0 =	rddreg [dreg:$0x8];
	s11 =	simm.s32 @!p0 $0xC80  }
0x11f: {  	[tilespmem:s11], [sflag:$0x1] =	stream.indirect_vreg.gather @!p0 [hbm4b:s0+s15], $0x80, v4, vm1, $0xb8;
	[tilespmem:$0x18480] =	vst v63  }
0x120: {  	s24 =	rddreg [dreg:$0x9];
	s11 =	simm.s32 @!p0 $0x1480  }
0x121: {  	[tilespmem:s11], [sflag:$0x1] =	stream.indirect_vreg.gather @!p0 [hbm4b:s24+s15], $0x80, v4, vm1, $0xb8;
	[tilespmem:$0x18480] =	vst v63  }
0x122: {  	s26 =	rddreg [dreg:$0xa];
	s11 =	simm.s32 @!p0 $0x1C80  }
0x123: {  	[tilespmem:s11], [sflag:$0x1] =	stream.indirect_vreg.gather @!p0 [hbm4b:s26+s15], $0x80, v4, vm1, $0xb8;
	[tilespmem:$0x18480] =	vst v63  }
0x124: {  	s5 =	rddreg [dreg:$0xb];
	s11 =	simm.s32 @!p0 $0x2480  }
0x125: {  	v5 =	vor.u32 @!p0 $0x8, v5;
	[tilespmem:s11], [sflag:$0x1] =	stream.indirect_vreg.gather @!p0 [hbm4b:s5+s15], $0x80, v4, vm1, $0xb8;
	[tilespmem:$0x18480] =	vst v63  }
0x126: {  	s6 =	rddreg [dreg:$0xc];
	v3 =	vperm.xlane @!p0 v3, v5;
	s11 =	simm.s32 @!p0 $0x2C80  }
0x127: {  	[tilespmem:s11], [sflag:$0x1] =	stream.indirect_vreg.gather @!p0 [hbm4b:s6+s15], $0x80, v4, vm1, $0xb8;
	[tilespmem:$0x18480] =	vst v63  }
0x128: {  	s7 =	rddreg [dreg:$0xd];
	v3 =	vadd.s32 @!p0 v6, v3;
	s11 =	simm.s32 @!p0 $0x3480  }
0x129: {  	[tilespmem:s11], [sflag:$0x1] =	stream.indirect_vreg.gather @!p0 [hbm4b:s7+s15], $0x80, v4, vm1, $0xb8;
	[tilespmem:$0x18480] =	vst v63  }
0x12a: {  	s8 =	rddreg [dreg:$0xe];
	s11 =	simm.s32 @!p0 $0x3C80  }
0x12b: {  	[tilespmem:s11], [sflag:$0x1] =	stream.indirect_vreg.gather @!p0 [hbm4b:s8+s15], $0x80, v4, vm1, $0xb8;
	[tilespmem:$0x18480] =	vst v63  }
0x12c: {  	s11 =	simm.s32 @!p0 $0x4480  }
0x12d: {  	[tilespmem:s11], [sflag:$0x1] =	stream.indirect_vreg.gather @!p0 [hbm4b:s28+s15], $0x80, v3, vm1, $0xb8;
	[tilespmem:$0x18480] =	vst v63  }
0x12e: {  	s11 =	simm.s32 @!p0 $0x4C80  }
0x12f: {  	[tilespmem:s11], [sflag:$0x1] =	stream.indirect_vreg.gather @!p0 [hbm4b:s0+s15], $0x80, v3, vm1, $0xb8;
	[tilespmem:$0x18480] =	vst v63  }
0x130: {  	s11 =	simm.s32 @!p0 $0x5480  }
0x131: {  	[tilespmem:s11], [sflag:$0x1] =	stream.indirect_vreg.gather @!p0 [hbm4b:s24+s15], $0x80, v3, vm1, $0xb8;
	[tilespmem:$0x18480] =	vst v63  }
0x132: {  	s11 =	simm.s32 @!p0 $0x5C80  }
0x133: {  	[tilespmem:s11], [sflag:$0x1] =	stream.indirect_vreg.gather @!p0 [hbm4b:s26+s15], $0x80, v3, vm1, $0xb8;
	[tilespmem:$0x18480] =	vst v63  }
0x134: {  	s11 =	simm.s32 @!p0 $0x6480  }
0x135: {  	[tilespmem:s11], [sflag:$0x1] =	stream.indirect_vreg.gather @!p0 [hbm4b:s5+s15], $0x80, v3, vm1, $0xb8;
	[tilespmem:$0x18480] =	vst v63  }
0x136: {  	s11 =	simm.s32 @!p0 $0x6C80  }
0x137: {  	[tilespmem:s11], [sflag:$0x1] =	stream.indirect_vreg.gather @!p0 [hbm4b:s6+s15], $0x80, v3, vm1, $0xb8;
	[tilespmem:$0x18480] =	vst v63  }
0x138: {  	s11 =	simm.s32 @!p0 $0x7480  }
0x139: {  	[tilespmem:s11], [sflag:$0x1] =	stream.indirect_vreg.gather @!p0 [hbm4b:s7+s15], $0x80, v3, vm1, $0xb8;
	[tilespmem:$0x18480] =	vst v63  }
0x13a: {  	s26 =	rddreg [dreg:$0x12];
	s11 =	simm.s32 @!p0 $0x7C80  }
0x13b: {  	[tilespmem:s11], [sflag:$0x1] =	stream.indirect_vreg.gather @!p0 [hbm4b:s8+s15], $0x80, v3, vm1, $0xb8;
	[tilespmem:$0x18480] =	vst v63  }
.LBB2_11:
0x13c: {  	s11 =	sadd.s32 $0xFFFFFFFE, s13  }
0x13d: {  	p0 =	sge.s32 s11, s26  }
.Ltmp10:
0x13e: {  	_ = 	snop;
	(pc) =	sbr.rel @p0 .LBB2_13-.Ltmp10, $1  }
0x13f: {  	_ =	sdelay $0x3  }
0x140: {  	v3 =	vld [tilespmem:s14+$0xFFFFFFF0];
	_ =	sdelay $0x4  }
0x141: {  	v4 =	vshll.u32 v3, $0x4  }
0x142: {  	v3 =	vand.u32 $0x7, v3;
	v4 =	vand.u32 $0xFFFFFF80, v4  }
0x143: {  	v3 =	vor.u32 v3, v4  }
0x144: {  	v4 =	vperm.xlane v3, v0;
	_ =	sdelay $0x1  }
0x145: {  	v4 =	vadd.s32 v1, v4  }
0x146: {  	s0 =	simm.s32 $0x2  }
0x147: {  	_ =	swait.ge [sflag:s0], $0x8000  }
0x148: {  	[sflag:s0] =	ssyncset.done $0x0  }
0x149: {  	s28 =	simm.s32 $0x8480;
	[sflag:s0] =	ssyncadd.s32 $0xFFFF8000  }
0x14a: {  	[hbm4b:s3+s4] =	stream.indirect_vreg.scatter [tilespmem:s28], [sflag:$0x4], $0x80, v4, vm0, $0xb8;
	[tilespmem:$0x18480] =	vst v63  }
0x14b: {  	s5 =	simm.s32 $0x8C80  }
0x14c: {  	[hbm4b:s16+s4] =	stream.indirect_vreg.scatter [tilespmem:s5], [sflag:$0x4], $0x80, v4, vm0, $0xb8;
	[tilespmem:$0x18480] =	vst v63  }
0x14d: {  	s6 =	simm.s32 $0x9480  }
0x14e: {  	[hbm4b:s17+s4] =	stream.indirect_vreg.scatter [tilespmem:s6], [sflag:$0x4], $0x80, v4, vm0, $0xb8;
	[tilespmem:$0x18480] =	vst v63  }
0x14f: {  	s7 =	simm.s32 $0x9C80  }
0x150: {  	[hbm4b:s18+s4] =	stream.indirect_vreg.scatter [tilespmem:s7], [sflag:$0x4], $0x80, v4, vm0, $0xb8;
	[tilespmem:$0x18480] =	vst v63  }
0x151: {  	s8 =	simm.s32 $0xA480  }
0x152: {  	[hbm4b:s19+s4] =	stream.indirect_vreg.scatter [tilespmem:s8], [sflag:$0x4], $0x80, v4, vm0, $0xb8;
	[tilespmem:$0x18480] =	vst v63  }
0x153: {  	s11 =	simm.s32 $0xAC80;
	v3 =	vperm.xlane v3, v2  }
0x154: {  	[hbm4b:s20+s4] =	stream.indirect_vreg.scatter [tilespmem:s11], [sflag:$0x4], $0x80, v4, vm0, $0xb8;
	[tilespmem:$0x18480] =	vst v63  }
0x155: {  	s15 =	simm.s32 $0xB480;
	v3 =	vadd.s32 v1, v3  }
0x156: {  	[hbm4b:s21+s4] =	stream.indirect_vreg.scatter [tilespmem:s15], [sflag:$0x4], $0x80, v4, vm0, $0xb8;
	[tilespmem:$0x18480] =	vst v63  }
0x157: {  	s24 =	simm.s32 $0xBC80  }
0x158: {  	[hbm4b:s22+s4] =	stream.indirect_vreg.scatter [tilespmem:s24], [sflag:$0x4], $0x80, v4, vm0, $0xb8;
	[tilespmem:$0x18480] =	vst v63  }
0x159: {  	s28 =	simm.s32 $0xC480  }
0x15a: {  	[hbm4b:s3+s4] =	stream.indirect_vreg.scatter [tilespmem:s28], [sflag:$0x4], $0x80, v3, vm0, $0xb8;
	[tilespmem:$0x18480] =	vst v63  }
0x15b: {  	s5 =	simm.s32 $0xCC80  }
0x15c: {  	[hbm4b:s16+s4] =	stream.indirect_vreg.scatter [tilespmem:s5], [sflag:$0x4], $0x80, v3, vm0, $0xb8;
	[tilespmem:$0x18480] =	vst v63  }
0x15d: {  	s6 =	simm.s32 $0xD480  }
0x15e: {  	[hbm4b:s17+s4] =	stream.indirect_vreg.scatter [tilespmem:s6], [sflag:$0x4], $0x80, v3, vm0, $0xb8;
	[tilespmem:$0x18480] =	vst v63  }
0x15f: {  	s7 =	simm.s32 $0xDC80  }
0x160: {  	[hbm4b:s18+s4] =	stream.indirect_vreg.scatter [tilespmem:s7], [sflag:$0x4], $0x80, v3, vm0, $0xb8;
	[tilespmem:$0x18480] =	vst v63  }
0x161: {  	s8 =	simm.s32 $0xE480  }
0x162: {  	[hbm4b:s19+s4] =	stream.indirect_vreg.scatter [tilespmem:s8], [sflag:$0x4], $0x80, v3, vm0, $0xb8;
	[tilespmem:$0x18480] =	vst v63  }
0x163: {  	s11 =	simm.s32 $0xEC80  }
0x164: {  	[hbm4b:s20+s4] =	stream.indirect_vreg.scatter [tilespmem:s11], [sflag:$0x4], $0x80, v3, vm0, $0xb8;
	[tilespmem:$0x18480] =	vst v63  }
0x165: {  	s15 =	simm.s32 $0xF480  }
0x166: {  	[hbm4b:s21+s4] =	stream.indirect_vreg.scatter [tilespmem:s15], [sflag:$0x4], $0x80, v3, vm0, $0xb8;
	[tilespmem:$0x18480] =	vst v63  }
0x167: {  	s24 =	simm.s32 $0xFC80;
	s28 =	simm.s32 $0x4  }
0x168: {  	[hbm4b:s22+s4] =	stream.indirect_vreg.scatter [tilespmem:s24], [sflag:$0x4], $0x80, v3, vm0, $0xb8;
	[tilespmem:$0x18480] =	vst v63  }
0x169: {  	_ =	swait.ge [sflag:s28], $0x8000  }
0x16a: {  	[sflag:s28] =	ssyncset.done $0x0  }
0x16b: {  	p0 =	sge.s32 s13, s26;
	[sflag:s28] =	ssyncadd.s32 $0xFFFF8000  }
0x16c: {  	v3 =	vld @!p0 [tilespmem:s14+$0x10];
	_ =	sdelay $0x4  }
0x16d: {  	v4 =	vshll.u32 @!p0 v3, $0x4  }
0x16e: {  	v5 =	vlaneseq.u32 @!p0;
	v3 =	vand.u32 @!p0 $0x7, v3;
	v4 =	vand.u32 @!p0 $0xFFFFFF80, v4  }
0x16f: {  	v6 =	vshrl.u32 @!p0 v5, $0x3;
	v3 =	vor.u32 @!p0 v3, v4;
	v4 =	vand.u32 @!p0 $0x7, v5  }
0x170: {  	v6 =	vmul.u32 @!p0 $0x8, v6;
	v4 =	vperm.xlane @!p0 v3, v4;
	_ =	sdelay $0x1  }
0x171: {  	v4 =	vadd.s32 @!p0 v6, v4;
	_ =	sdelay $0x3  }
0x172: {  	vm1 =	vmmov @!p0 $0xffff;
	s11 =	simm.s32 @!p0 $0x0;
	s15 =	simm.s32 @!p0 $0x8480;
	s28 =	rddreg [dreg:$0x0]  }
0x173: {  	[tilespmem:s15], [sflag:$0x2] =	stream.indirect_vreg.gather @!p0 [hbm4b:s28+s11], $0x80, v4, vm1, $0xb8;
	[tilespmem:$0x18480] =	vst v63  }
0x174: {  	s0 =	rddreg [dreg:$0x8];
	s15 =	simm.s32 @!p0 $0x8C80  }
0x175: {  	[tilespmem:s15], [sflag:$0x2] =	stream.indirect_vreg.gather @!p0 [hbm4b:s0+s11], $0x80, v4, vm1, $0xb8;
	[tilespmem:$0x18480] =	vst v63  }
0x176: {  	s24 =	rddreg [dreg:$0x9];
	s15 =	simm.s32 @!p0 $0x9480  }
0x177: {  	[tilespmem:s15], [sflag:$0x2] =	stream.indirect_vreg.gather @!p0 [hbm4b:s24+s11], $0x80, v4, vm1, $0xb8;
	[tilespmem:$0x18480] =	vst v63  }
0x178: {  	s26 =	rddreg [dreg:$0xa];
	s15 =	simm.s32 @!p0 $0x9C80  }
0x179: {  	[tilespmem:s15], [sflag:$0x2] =	stream.indirect_vreg.gather @!p0 [hbm4b:s26+s11], $0x80, v4, vm1, $0xb8;
	[tilespmem:$0x18480] =	vst v63  }
0x17a: {  	s5 =	rddreg [dreg:$0xb];
	s15 =	simm.s32 @!p0 $0xA480  }
0x17b: {  	v5 =	vor.u32 @!p0 $0x8, v5;
	[tilespmem:s15], [sflag:$0x2] =	stream.indirect_vreg.gather @!p0 [hbm4b:s5+s11], $0x80, v4, vm1, $0xb8;
	[tilespmem:$0x18480] =	vst v63  }
0x17c: {  	s6 =	rddreg [dreg:$0xc];
	v3 =	vperm.xlane @!p0 v3, v5;
	s15 =	simm.s32 @!p0 $0xAC80  }
0x17d: {  	[tilespmem:s15], [sflag:$0x2] =	stream.indirect_vreg.gather @!p0 [hbm4b:s6+s11], $0x80, v4, vm1, $0xb8;
	[tilespmem:$0x18480] =	vst v63  }
0x17e: {  	s7 =	rddreg [dreg:$0xd];
	v3 =	vadd.s32 @!p0 v6, v3;
	s15 =	simm.s32 @!p0 $0xB480  }
0x17f: {  	[tilespmem:s15], [sflag:$0x2] =	stream.indirect_vreg.gather @!p0 [hbm4b:s7+s11], $0x80, v4, vm1, $0xb8;
	[tilespmem:$0x18480] =	vst v63  }
0x180: {  	s8 =	rddreg [dreg:$0xe];
	s15 =	simm.s32 @!p0 $0xBC80  }
0x181: {  	[tilespmem:s15], [sflag:$0x2] =	stream.indirect_vreg.gather @!p0 [hbm4b:s8+s11], $0x80, v4, vm1, $0xb8;
	[tilespmem:$0x18480] =	vst v63  }
0x182: {  	s15 =	simm.s32 @!p0 $0xC480  }
0x183: {  	[tilespmem:s15], [sflag:$0x2] =	stream.indirect_vreg.gather @!p0 [hbm4b:s28+s11], $0x80, v3, vm1, $0xb8;
	[tilespmem:$0x18480] =	vst v63  }
0x184: {  	s15 =	simm.s32 @!p0 $0xCC80  }
0x185: {  	[tilespmem:s15], [sflag:$0x2] =	stream.indirect_vreg.gather @!p0 [hbm4b:s0+s11], $0x80, v3, vm1, $0xb8;
	[tilespmem:$0x18480] =	vst v63  }
0x186: {  	s15 =	simm.s32 @!p0 $0xD480  }
0x187: {  	[tilespmem:s15], [sflag:$0x2] =	stream.indirect_vreg.gather @!p0 [hbm4b:s24+s11], $0x80, v3, vm1, $0xb8;
	[tilespmem:$0x18480] =	vst v63  }
0x188: {  	s15 =	simm.s32 @!p0 $0xDC80  }
0x189: {  	[tilespmem:s15], [sflag:$0x2] =	stream.indirect_vreg.gather @!p0 [hbm4b:s26+s11], $0x80, v3, vm1, $0xb8;
	[tilespmem:$0x18480] =	vst v63  }
0x18a: {  	s15 =	simm.s32 @!p0 $0xE480  }
0x18b: {  	[tilespmem:s15], [sflag:$0x2] =	stream.indirect_vreg.gather @!p0 [hbm4b:s5+s11], $0x80, v3, vm1, $0xb8;
	[tilespmem:$0x18480] =	vst v63  }
0x18c: {  	s15 =	simm.s32 @!p0 $0xEC80  }
0x18d: {  	[tilespmem:s15], [sflag:$0x2] =	stream.indirect_vreg.gather @!p0 [hbm4b:s6+s11], $0x80, v3, vm1, $0xb8;
	[tilespmem:$0x18480] =	vst v63  }
.Ltmp11:
0x18e: {  	_ = 	snop;
	(pc) =	sbr.rel .LBB2_13-.Ltmp11, $4  }
0x18f: {  	s15 =	simm.s32 @!p0 $0xF480  }
0x190: {  	[tilespmem:s15], [sflag:$0x2] =	stream.indirect_vreg.gather @!p0 [hbm4b:s7+s11], $0x80, v3, vm1, $0xb8;
	[tilespmem:$0x18480] =	vst v63  }
0x191: {  	s26 =	rddreg [dreg:$0x12];
	s15 =	simm.s32 @!p0 $0xFC80  }
0x192: {  	[tilespmem:s15], [sflag:$0x2] =	stream.indirect_vreg.gather @!p0 [hbm4b:s8+s11], $0x80, v3, vm1, $0xb8;
	[tilespmem:$0x18480] =	vst v63  }
.LBB2_14:
0x193: {  	s0 =	rddreg [dreg:$0x11]  }
0x194: {  	p0 =	sgt.s32 s0, $0x0  }
.Ltmp12:
0x195: {  	_ = 	snop;
	(pc) =	sbr.rel @!p0 .LBB2_18-.Ltmp12, $3  }
0x196: {  	_ =	sdelay $0x1  }
0x197: {  	s8 =	simm.s32 $0x10480  }
0x198: {  	s14 =	simm.s32 $0x13480;
	s15 =	simm.s32 $0x13C80;
	s5 =	rddreg [dreg:$0x10]  }
0x199: {  	p0 =	sne.s32 s0, $0x1  }
.Ltmp13:
0x19a: {  	_ = 	snop;
	(pc) =	sbr.rel @!p0 .LBB2_17-.Ltmp13, $3  }
0x19b: {  	_ =	sdelay $0x1  }
0x19c: {  	_ =	swait.ge [sflag:s10], $0x8000  }
0x19d: {  	s11 =	sadd.s32 $0xFFFFFFFF, s0;
	[sflag:s10] =	ssyncset.done $0x0  }
.LBB2_16:
0x19e: {  	p0 =	sne.s32 s11, $0x1;
	s11 =	sadd.s32 $0xFFFFFFFF, s11;
	[sflag:s10] =	ssyncadd.s32 $0xFFFF8000  }
.Ltmp14:
0x19f: {  	(pc) =	sbr.rel @p0 .LBB2_16-.Ltmp14, $3  }
0x1a0: {  	_ =	sdelay $0x1  }
0x1a1: {  	_ =	swait.ge [sflag:s10], $0x8000  }
0x1a2: {  	[sflag:s10] =	ssyncset.done $0x0  }
.Ltmp15:
0x1a3: {  	_ = 	snop;
	(pc) =	sbr.rel .LBB2_17-.Ltmp15, $1  }
0x1a4: {  	_ =	sdelay $0x3  }
.LBB2_19:
0x1a5: {  	_ =	sfence.sel $0x180000  }
0x1a6: {  	[bflag:$0x0] =	sbarrier.arrive $0xFFFF  }
0x1a7: {  	_ =	strace $0x90000047  }
0x1a8: {  	s0 =	stileid.u32;
	[bflag:$0x2] =	sbarrier.arrive $0xFFFF  }
0x1a9: {  	p0 =	sne.s32 s0, $0x0;
	s0 =	rddreg [dreg:$0x3]  }
0x1aa: {  	s0 =	sadd.s32 @!p0 $0x100000, s0  }
0x1ab: {  	[sflag:s0] =	ssyncadd.tile.s32 @!p0 $0x1;
	_ =	shalt  }
.Lfunc_end2:
_tile_overlayer_lowered:
.L_overlay_start_2:
0x1ac: {  	(tag) =	ssettag $0x2  }
0x1ad: {  	s0 =	rddreg [dreg:$0x0];
	s2 =	stileid.u32  }
0x1ae: {  	s1 =	rddreg [dreg:$0x1];
	p0 =	sne.s32 s2, $0x0  }
0x1af: {  	s3 =	rddreg [dreg:$0x2];
	[bflag:$0x3] =	sbarrier.arrive $0xFFFF;
	s2 =	simm.s32 @!p0 $0x1C06  }
0x1b0: {  	[timem:s3], [sflag:s2] =	dma.local @!p0 [hbm:s0], s1  }
0x1b1: {  	s0 =	simm.s32 @!p0 $0x6  }
0x1b2: {  	_ =	swait.ge @!p0 [sflag:s0], s1  }
0x1b3: {  	s1 =	ssub.s32 @!p0 $0x0, s1;
	[sflag:s0] =	ssyncset.done @!p0 $0x0  }
0x1b4: {  	[sflag:s0] =	ssyncadd.s32 @!p0 s1  }
0x1b5: {  	[bflag:$0x3] =	sbarrier.arrive $0xFFFF  }
0x1b6: {  	_ =	shalt  }

</sc_bundles>
